<compile_context>
chip_gen: v7x
topology: tpu7x:2x2x1
jax: 0.10.2.dev20260603
libtpu: 0.0.44.dev20260713+nightly
codegen_flags: <defaults>
</compile_context>

<pallas_src>
import jax
import jax.numpy as jnp
from jax import lax
from jax.experimental import pallas as pl
from jax.experimental.pallas import tpu as pltpu
from jax.experimental.pallas import tpu_sc as plsc

EMB_DIM = 64
BATCH = 16384
N_SERVICE = 1000

NUM_CORES = 2
NUM_SUBCORES = 16
NUM_WORKERS = NUM_CORES * NUM_SUBCORES

ROWS_PER_WORKER = BATCH // NUM_WORKERS
CHUNK = 128
CHUNKS = ROWS_PER_WORKER // CHUNK


def _gather_body(tbl_hbm, idx_hbm, out_hbm,
                 idx_v, sbuf, gbuf, shared_tbl, gsems, wsem):
    wid = lax.axis_index("s") * NUM_CORES + lax.axis_index("c")
    sid = lax.axis_index("s")
    srow = sid * (2 * N_SERVICE // NUM_SUBCORES)
    stage = pltpu.async_copy(
        tbl_hbm.at[pl.ds(srow, 2 * N_SERVICE // NUM_SUBCORES)],
        shared_tbl.at[pl.ds(srow, 2 * N_SERVICE // NUM_SUBCORES)], wsem)
    ib = pl.multiple_of(wid * 2 * CHUNKS, 2 * CHUNKS)
    ob = pl.multiple_of(wid * ROWS_PER_WORKER, ROWS_PER_WORKER)
    pltpu.sync_copy(idx_hbm.at[pl.ds(ib, 2 * CHUNKS)], idx_v)
    stage.wait()
    plsc.subcore_barrier()
    off = jnp.full((16,), N_SERVICE, jnp.int32)
    for j in range(CHUNKS):
        for c in range(CHUNK // 16):
            sl = (2 * j + 1, pl.ds(c * 16, 16))
            idx_v[sl] = idx_v[sl] + off
    gathers = []
    for j in range(CHUNKS):
        rows = pl.ds(j * CHUNK, CHUNK)
        gathers.append(pltpu.async_copy(
            shared_tbl.at[idx_v.at[2 * j]], sbuf.at[rows, :],
            gsems.at[2 * j]))
        gathers.append(pltpu.async_copy(
            shared_tbl.at[idx_v.at[2 * j + 1]], gbuf.at[rows, :],
            gsems.at[2 * j + 1]))
    writes = []
    for j in range(CHUNKS):
        rows = pl.ds(j * CHUNK, CHUNK)
        orows = pl.ds(ob + j * CHUNK, CHUNK)
        gathers[2 * j].wait()
        writes.append(pltpu.async_copy(
            sbuf.at[rows, :], out_hbm.at[orows, pl.ds(0, EMB_DIM)], wsem))
        gathers[2 * j + 1].wait()
        writes.append(pltpu.async_copy(
            gbuf.at[rows, :], out_hbm.at[orows, pl.ds(EMB_DIM, EMB_DIM)],
            wsem))
    for w in writes:
        w.wait()


@jax.jit
def _gather(tbl, idx):
    mesh = plsc.VectorSubcoreMesh(core_axis_name="c", subcore_axis_name="s")
    k = pl.kernel(
        _gather_body,
        out_type=jax.ShapeDtypeStruct((BATCH, 2 * EMB_DIM), jnp.float32),
        mesh=mesh,
        scratch_types=[
            pltpu.VMEM((2 * CHUNKS, CHUNK), jnp.int32),
            pltpu.VMEM((ROWS_PER_WORKER, EMB_DIM), jnp.float32),
            pltpu.VMEM((ROWS_PER_WORKER, EMB_DIM), jnp.float32),
            pltpu.VMEM_SHARED((2 * N_SERVICE, EMB_DIM), jnp.float32),
            pltpu.SemaphoreType.DMA((2 * CHUNKS,)),
            pltpu.SemaphoreType.DMA,
        ],
        compiler_params=pltpu.CompilerParams(use_tc_tiling_on_sc=False),
    )
    return k(tbl, idx)


def kernel(x2, emb_service, emb_genre):
    xi = x2.astype(jnp.int32)
    idx = xi.T.reshape(2, BATCH // CHUNK, CHUNK).transpose(1, 0, 2)
    idx = idx.reshape(2 * BATCH // CHUNK, CHUNK)
    tbl = jnp.concatenate((emb_service, emb_genre), axis=0)
    return _gather(tbl, idx)

# --- scband reference (transcript-rebuilt; emitter-appended) ---
"""Pipeline reference for scband-tsitem-loading-54666343744134 (READ-ONLY COPY).

The authoritative reference and input builder live on the scoring server;
editing this copy changes nothing except your own understanding.
"""

import jax, jax.numpy as jnp
import numpy as np

N_SERVICE = 1000
N_GENRE = 1000
EMB_DIM = 64
BATCH = 16384

def setup_inputs(seed: int = 0) -> dict:
    key = jax.random.key(seed)
    k1, k2, k3 = jax.random.split(key, 3)
    x2 = jax.random.randint(k1, (BATCH, 2), 0, N_SERVICE, dtype=jnp.int64)
    emb_service = jax.random.normal(k2, (N_SERVICE, EMB_DIM), dtype=jnp.float32)
    emb_genre = jax.random.normal(k3, (N_GENRE, EMB_DIM), dtype=jnp.float32)
    return {"x2": x2, "emb_service": emb_service, "emb_genre": emb_genre}

def reference(x2, emb_service, emb_genre):
    service_idx = x2[:, 0].astype(jnp.int32)
    genre_idx = x2[:, 1].astype(jnp.int32)
    service_emb = jnp.take(emb_service, service_idx, axis=0)
    genre_emb = jnp.take(emb_genre, genre_idx, axis=0)
    concat_emb = jnp.concatenate((service_emb, genre_emb), axis=1)
    return concat_emb

if __name__ == "__main__":
    import jax
    _d = setup_inputs()
    print(jax.jit(kernel)(*tuple(_d.values())))

</pallas_src>

<mosaic_0001>
#map = affine_map<(d0, d1) -> (0, 0)>
module attributes {stable_mosaic.version = 14 : i64} {
  func.func @_gather_body(%arg0: i32, %arg1: i32, %arg2: memref<2000x64xf32, #tpu.memory_space<hbm>>, %arg3: memref<256x128xi32, #tpu.memory_space<hbm>>, %arg4: memref<16384x128xf32, #tpu.memory_space<hbm>>, %arg5: memref<8x128xi32, #tpu.memory_space<vmem>>, %arg6: memref<512x64xf32, #tpu.memory_space<vmem>>, %arg7: memref<512x64xf32, #tpu.memory_space<vmem>>, %arg8: memref<2000x64xf32, #tpu.memory_space<vmem_shared>>, %arg9: memref<8x!tpu.dma_semaphore, #tpu.memory_space<semaphore_mem>>, %arg10: memref<!tpu.dma_semaphore, #tpu.memory_space<semaphore_mem>>) attributes {dimension_semantics = [#tpu.dimension_semantics<core_parallel>, #tpu.dimension_semantics<subcore_parallel>], iteration_bounds = array<i64: 2, 16>, scalar_prefetch = 0 : i64, scratch_operands = 6 : i64, tpu.core_type = #tpu.core_type<sc_vector_subcore>, window_params = [{transform_indices = #map}, {transform_indices = #map}, {transform_indices = #map}]} {
    %mul3A = arith.constant 2 : i32
    %mul3A_0 = arith.muli %arg1, %mul3A : i32
    %add3A = arith.addi %mul3A_0, %arg0 : i32
    %mul3A_1 = arith.constant 125 : i32
    %mul3A_2 = arith.muli %arg1, %mul3A_1 : i32
    %dma_start3A = arith.constant 0 : i32
    %dma_start3A_3 = tpu.memref_slice %arg8[%mul3A_2, %dma_start3A] : memref<2000x64xf32, #tpu.memory_space<vmem_shared>> -> memref<125x64xf32, #tpu.memory_space<vmem_shared>>
    %dma_start3A_4 = arith.constant 0 : i32
    %dma_start3A_5 = tpu.memref_slice %arg2[%mul3A_2, %dma_start3A_4] : memref<2000x64xf32, #tpu.memory_space<hbm>> -> memref<125x64xf32, #tpu.memory_space<hbm>>
    tpu.enqueue_dma source(%dma_start3A_5 : memref<125x64xf32, #tpu.memory_space<hbm>>) target(%dma_start3A_3 : memref<125x64xf32, #tpu.memory_space<vmem_shared>>) target_semaphore(%arg10 : memref<!tpu.dma_semaphore, #tpu.memory_space<semaphore_mem>>)
    %mul3A_6 = arith.constant 2 : i32
    %mul3A_7 = arith.muli %add3A, %mul3A_6 : i32
    %mul3A_8 = arith.constant 4 : i32
    %mul3A_9 = arith.muli %mul3A_7, %mul3A_8 : i32
    %multiple_of3A = tpu.assume_multiple %mul3A_9, 8 : i32
    %mul3A_10 = arith.constant 512 : i32
    %mul3A_11 = arith.muli %add3A, %mul3A_10 : i32
    %multiple_of3A_12 = tpu.assume_multiple %mul3A_11, 512 : i32
    "tpu.region"() ({
      %run_scoped3A = tpu.sem_alloc : memref<!tpu.dma_semaphore, #tpu.memory_space<semaphore_mem>>
      %dma_start3A_775 = arith.constant 0 : i32
      %dma_start3A_776 = tpu.memref_slice %arg3[%multiple_of3A, %dma_start3A_775] : memref<256x128xi32, #tpu.memory_space<hbm>> -> memref<8x128xi32, #tpu.memory_space<hbm>>
      %dma_start3A_777 = arith.constant 0 : i32
      %dma_start3A_778 = tpu.memref_slice %arg3[%multiple_of3A, %dma_start3A_777] : memref<256x128xi32, #tpu.memory_space<hbm>> -> memref<8x128xi32, #tpu.memory_space<hbm>>
      tpu.enqueue_dma source(%dma_start3A_778 : memref<8x128xi32, #tpu.memory_space<hbm>>) target(%arg5 : memref<8x128xi32, #tpu.memory_space<vmem>>) target_semaphore(%run_scoped3A : memref<!tpu.dma_semaphore, #tpu.memory_space<semaphore_mem>>)
      %dma_wait3A_779 = arith.constant 0 : i32
      %dma_wait3A_780 = tpu.memref_slice %arg3[%multiple_of3A, %dma_wait3A_779] : memref<256x128xi32, #tpu.memory_space<hbm>> -> memref<8x128xi32, #tpu.memory_space<hbm>>
      %dma_wait3A_781 = arith.constant 0 : i32
      %dma_wait3A_782 = tpu.memref_slice %arg3[%multiple_of3A, %dma_wait3A_781] : memref<256x128xi32, #tpu.memory_space<hbm>> -> memref<8x128xi32, #tpu.memory_space<hbm>>
      tpu.wait_dma2 semaphore(%run_scoped3A : memref<!tpu.dma_semaphore, #tpu.memory_space<semaphore_mem>>) src(%dma_wait3A_782 : memref<8x128xi32, #tpu.memory_space<hbm>>) dst(%arg5 : memref<8x128xi32, #tpu.memory_space<vmem>>)
      tpu.yield
    }) : () -> ()
    %dma_wait3A = arith.constant 0 : i32
    %dma_wait3A_13 = tpu.memref_slice %arg8[%mul3A_2, %dma_wait3A] : memref<2000x64xf32, #tpu.memory_space<vmem_shared>> -> memref<125x64xf32, #tpu.memory_space<vmem_shared>>
    %dma_wait3A_14 = arith.constant 0 : i32
    %dma_wait3A_15 = tpu.memref_slice %arg2[%mul3A_2, %dma_wait3A_14] : memref<2000x64xf32, #tpu.memory_space<hbm>> -> memref<125x64xf32, #tpu.memory_space<hbm>>
    tpu.wait_dma2 semaphore(%arg10 : memref<!tpu.dma_semaphore, #tpu.memory_space<semaphore_mem>>) src(%dma_wait3A_15 : memref<125x64xf32, #tpu.memory_space<hbm>>) dst(%dma_wait3A_13 : memref<125x64xf32, #tpu.memory_space<vmem_shared>>)
    %barrier3A = arith.constant 0 : index
    tpu.barrier barrier_id(%barrier3A)
    %broadcast_in_dim3A = arith.constant 1000 : i32
    %broadcast_in_dim3A_16 = vector.broadcast %broadcast_in_dim3A : i32 to vector<16xi32>
    %get3A = arith.constant 1 : i32
    %get3A_17 = arith.index_cast %get3A : i32 to index
    %get3A_18 = arith.constant 0 : index
    %get3A_19 = tpu.vector_load %arg5[%get3A_17, %get3A_18] {strides = array<i32>} : memref<8x128xi32, #tpu.memory_space<vmem>>, vector<1x16xi32>,
    %get3A_20 = vector.shape_cast %get3A_19 : vector<1x16xi32> to vector<16xi32>
    %add3A_21 = arith.addi %get3A_20, %broadcast_in_dim3A_16 : vector<16xi32>
    %swap3A = arith.constant 1 : i32
    %swap3A_22 = arith.index_cast %swap3A : i32 to index
    %swap3A_23 = arith.constant 0 : index
    %swap3A_24 = tpu.vector_load %arg5[%swap3A_22, %swap3A_23] {strides = array<i32>} : memref<8x128xi32, #tpu.memory_space<vmem>>, vector<1x16xi32>,
    %swap3A_25 = vector.shape_cast %swap3A_24 : vector<1x16xi32> to vector<16xi32>
    %swap3A_26 = vector.shape_cast %add3A_21 : vector<16xi32> to vector<1x16xi32>
    tpu.vector_store %arg5[%swap3A_22, %swap3A_23], %swap3A_26 {strides = array<i32>} : memref<8x128xi32, #tpu.memory_space<vmem>>, vector<1x16xi32>,
    %get3A_27 = arith.constant 1 : i32
    %get3A_28 = arith.index_cast %get3A_27 : i32 to index
    %get3A_29 = arith.constant 16 : index
    %get3A_30 = tpu.vector_load %arg5[%get3A_28, %get3A_29] {strides = array<i32>} : memref<8x128xi32, #tpu.memory_space<vmem>>, vector<1x16xi32>,
    %get3A_31 = vector.shape_cast %get3A_30 : vector<1x16xi32> to vector<16xi32>
    %add3A_32 = arith.addi %get3A_31, %broadcast_in_dim3A_16 : vector<16xi32>
    %swap3A_33 = arith.constant 1 : i32
    %swap3A_34 = arith.index_cast %swap3A_33 : i32 to index
    %swap3A_35 = arith.constant 16 : index
    %swap3A_36 = tpu.vector_load %arg5[%swap3A_34, %swap3A_35] {strides = array<i32>} : memref<8x128xi32, #tpu.memory_space<vmem>>, vector<1x16xi32>,
    %swap3A_37 = vector.shape_cast %swap3A_36 : vector<1x16xi32> to vector<16xi32>
    %swap3A_38 = vector.shape_cast %add3A_32 : vector<16xi32> to vector<1x16xi32>
    tpu.vector_store %arg5[%swap3A_34, %swap3A_35], %swap3A_38 {strides = array<i32>} : memref<8x128xi32, #tpu.memory_space<vmem>>, vector<1x16xi32>,
    %get3A_39 = arith.constant 1 : i32
    %get3A_40 = arith.index_cast %get3A_39 : i32 to index
    %get3A_41 = arith.constant 32 : index
    %get3A_42 = tpu.vector_load %arg5[%get3A_40, %get3A_41] {strides = array<i32>} : memref<8x128xi32, #tpu.memory_space<vmem>>, vector<1x16xi32>,
    %get3A_43 = vector.shape_cast %get3A_42 : vector<1x16xi32> to vector<16xi32>
    %add3A_44 = arith.addi %get3A_43, %broadcast_in_dim3A_16 : vector<16xi32>
    %swap3A_45 = arith.constant 1 : i32
    %swap3A_46 = arith.index_cast %swap3A_45 : i32 to index
    %swap3A_47 = arith.constant 32 : index
    %swap3A_48 = tpu.vector_load %arg5[%swap3A_46, %swap3A_47] {strides = array<i32>} : memref<8x128xi32, #tpu.memory_space<vmem>>, vector<1x16xi32>,
    %swap3A_49 = vector.shape_cast %swap3A_48 : vector<1x16xi32> to vector<16xi32>
    %swap3A_50 = vector.shape_cast %add3A_44 : vector<16xi32> to vector<1x16xi32>
    tpu.vector_store %arg5[%swap3A_46, %swap3A_47], %swap3A_50 {strides = array<i32>} : memref<8x128xi32, #tpu.memory_space<vmem>>, vector<1x16xi32>,
    %get3A_51 = arith.constant 1 : i32
    %get3A_52 = arith.index_cast %get3A_51 : i32 to index
    %get3A_53 = arith.constant 48 : index
    %get3A_54 = tpu.vector_load %arg5[%get3A_52, %get3A_53] {strides = array<i32>} : memref<8x128xi32, #tpu.memory_space<vmem>>, vector<1x16xi32>,
    %get3A_55 = vector.shape_cast %get3A_54 : vector<1x16xi32> to vector<16xi32>
    %add3A_56 = arith.addi %get3A_55, %broadcast_in_dim3A_16 : vector<16xi32>
    %swap3A_57 = arith.constant 1 : i32
    %swap3A_58 = arith.index_cast %swap3A_57 : i32 to index
    %swap3A_59 = arith.constant 48 : index
    %swap3A_60 = tpu.vector_load %arg5[%swap3A_58, %swap3A_59] {strides = array<i32>} : memref<8x128xi32, #tpu.memory_space<vmem>>, vector<1x16xi32>,
    %swap3A_61 = vector.shape_cast %swap3A_60 : vector<1x16xi32> to vector<16xi32>
    %swap3A_62 = vector.shape_cast %add3A_56 : vector<16xi32> to vector<1x16xi32>
    tpu.vector_store %arg5[%swap3A_58, %swap3A_59], %swap3A_62 {strides = array<i32>} : memref<8x128xi32, #tpu.memory_space<vmem>>, vector<1x16xi32>,
    %get3A_63 = arith.constant 1 : i32
    %get3A_64 = arith.index_cast %get3A_63 : i32 to index
    %get3A_65 = arith.constant 64 : index
    %get3A_66 = tpu.vector_load %arg5[%get3A_64, %get3A_65] {strides = array<i32>} : memref<8x128xi32, #tpu.memory_space<vmem>>, vector<1x16xi32>,
    %get3A_67 = vector.shape_cast %get3A_66 : vector<1x16xi32> to vector<16xi32>
    %add3A_68 = arith.addi %get3A_67, %broadcast_in_dim3A_16 : vector<16xi32>
    %swap3A_69 = arith.constant 1 : i32
    %swap3A_70 = arith.index_cast %swap3A_69 : i32 to index
    %swap3A_71 = arith.constant 64 : index
    %swap3A_72 = tpu.vector_load %arg5[%swap3A_70, %swap3A_71] {strides = array<i32>} : memref<8x128xi32, #tpu.memory_space<vmem>>, vector<1x16xi32>,
    %swap3A_73 = vector.shape_cast %swap3A_72 : vector<1x16xi32> to vector<16xi32>
    %swap3A_74 = vector.shape_cast %add3A_68 : vector<16xi32> to vector<1x16xi32>
    tpu.vector_store %arg5[%swap3A_70, %swap3A_71], %swap3A_74 {strides = array<i32>} : memref<8x128xi32, #tpu.memory_space<vmem>>, vector<1x16xi32>,
    %get3A_75 = arith.constant 1 : i32
    %get3A_76 = arith.index_cast %get3A_75 : i32 to index
    %get3A_77 = arith.constant 80 : index
    %get3A_78 = tpu.vector_load %arg5[%get3A_76, %get3A_77] {strides = array<i32>} : memref<8x128xi32, #tpu.memory_space<vmem>>, vector<1x16xi32>,
    %get3A_79 = vector.shape_cast %get3A_78 : vector<1x16xi32> to vector<16xi32>
    %add3A_80 = arith.addi %get3A_79, %broadcast_in_dim3A_16 : vector<16xi32>
    %swap3A_81 = arith.constant 1 : i32
    %swap3A_82 = arith.index_cast %swap3A_81 : i32 to index
    %swap3A_83 = arith.constant 80 : index
    %swap3A_84 = tpu.vector_load %arg5[%swap3A_82, %swap3A_83] {strides = array<i32>} : memref<8x128xi32, #tpu.memory_space<vmem>>, vector<1x16xi32>,
    %swap3A_85 = vector.shape_cast %swap3A_84 : vector<1x16xi32> to vector<16xi32>
    %swap3A_86 = vector.shape_cast %add3A_80 : vector<16xi32> to vector<1x16xi32>
    tpu.vector_store %arg5[%swap3A_82, %swap3A_83], %swap3A_86 {strides = array<i32>} : memref<8x128xi32, #tpu.memory_space<vmem>>, vector<1x16xi32>,
    %get3A_87 = arith.constant 1 : i32
    %get3A_88 = arith.index_cast %get3A_87 : i32 to index
    %get3A_89 = arith.constant 96 : index
    %get3A_90 = tpu.vector_load %arg5[%get3A_88, %get3A_89] {strides = array<i32>} : memref<8x128xi32, #tpu.memory_space<vmem>>, vector<1x16xi32>,
    %get3A_91 = vector.shape_cast %get3A_90 : vector<1x16xi32> to vector<16xi32>
    %add3A_92 = arith.addi %get3A_91, %broadcast_in_dim3A_16 : vector<16xi32>
    %swap3A_93 = arith.constant 1 : i32
    %swap3A_94 = arith.index_cast %swap3A_93 : i32 to index
    %swap3A_95 = arith.constant 96 : index
    %swap3A_96 = tpu.vector_load %arg5[%swap3A_94, %swap3A_95] {strides = array<i32>} : memref<8x128xi32, #tpu.memory_space<vmem>>, vector<1x16xi32>,
    %swap3A_97 = vector.shape_cast %swap3A_96 : vector<1x16xi32> to vector<16xi32>
    %swap3A_98 = vector.shape_cast %add3A_92 : vector<16xi32> to vector<1x16xi32>
    tpu.vector_store %arg5[%swap3A_94, %swap3A_95], %swap3A_98 {strides = array<i32>} : memref<8x128xi32, #tpu.memory_space<vmem>>, vector<1x16xi32>,
    %get3A_99 = arith.constant 1 : i32
    %get3A_100 = arith.index_cast %get3A_99 : i32 to index
    %get3A_101 = arith.constant 112 : index
    %get3A_102 = tpu.vector_load %arg5[%get3A_100, %get3A_101] {strides = array<i32>} : memref<8x128xi32, #tpu.memory_space<vmem>>, vector<1x16xi32>,
    %get3A_103 = vector.shape_cast %get3A_102 : vector<1x16xi32> to vector<16xi32>
    %add3A_104 = arith.addi %get3A_103, %broadcast_in_dim3A_16 : vector<16xi32>
    %swap3A_105 = arith.constant 1 : i32
    %swap3A_106 = arith.index_cast %swap3A_105 : i32 to index
    %swap3A_107 = arith.constant 112 : index
    %swap3A_108 = tpu.vector_load %arg5[%swap3A_106, %swap3A_107] {strides = array<i32>} : memref<8x128xi32, #tpu.memory_space<vmem>>, vector<1x16xi32>,
    %swap3A_109 = vector.shape_cast %swap3A_108 : vector<1x16xi32> to vector<16xi32>
    %swap3A_110 = vector.shape_cast %add3A_104 : vector<16xi32> to vector<1x16xi32>
    tpu.vector_store %arg5[%swap3A_106, %swap3A_107], %swap3A_110 {strides = array<i32>} : memref<8x128xi32, #tpu.memory_space<vmem>>, vector<1x16xi32>,
    %get3A_111 = arith.constant 3 : i32
    %get3A_112 = arith.index_cast %get3A_111 : i32 to index
    %get3A_113 = arith.constant 0 : index
    %get3A_114 = tpu.vector_load %arg5[%get3A_112, %get3A_113] {strides = array<i32>} : memref<8x128xi32, #tpu.memory_space<vmem>>, vector<1x16xi32>,
    %get3A_115 = vector.shape_cast %get3A_114 : vector<1x16xi32> to vector<16xi32>
    %add3A_116 = arith.addi %get3A_115, %broadcast_in_dim3A_16 : vector<16xi32>
    %swap3A_117 = arith.constant 3 : i32
    %swap3A_118 = arith.index_cast %swap3A_117 : i32 to index
    %swap3A_119 = arith.constant 0 : index
    %swap3A_120 = tpu.vector_load %arg5[%swap3A_118, %swap3A_119] {strides = array<i32>} : memref<8x128xi32, #tpu.memory_space<vmem>>, vector<1x16xi32>,
    %swap3A_121 = vector.shape_cast %swap3A_120 : vector<1x16xi32> to vector<16xi32>
    %swap3A_122 = vector.shape_cast %add3A_116 : vector<16xi32> to vector<1x16xi32>
    tpu.vector_store %arg5[%swap3A_118, %swap3A_119], %swap3A_122 {strides = array<i32>} : memref<8x128xi32, #tpu.memory_space<vmem>>, vector<1x16xi32>,
    %get3A_123 = arith.constant 3 : i32
    %get3A_124 = arith.index_cast %get3A_123 : i32 to index
    %get3A_125 = arith.constant 16 : index
    %get3A_126 = tpu.vector_load %arg5[%get3A_124, %get3A_125] {strides = array<i32>} : memref<8x128xi32, #tpu.memory_space<vmem>>, vector<1x16xi32>,
    %get3A_127 = vector.shape_cast %get3A_126 : vector<1x16xi32> to vector<16xi32>
    %add3A_128 = arith.addi %get3A_127, %broadcast_in_dim3A_16 : vector<16xi32>
    %swap3A_129 = arith.constant 3 : i32
    %swap3A_130 = arith.index_cast %swap3A_129 : i32 to index
    %swap3A_131 = arith.constant 16 : index
    %swap3A_132 = tpu.vector_load %arg5[%swap3A_130, %swap3A_131] {strides = array<i32>} : memref<8x128xi32, #tpu.memory_space<vmem>>, vector<1x16xi32>,
    %swap3A_133 = vector.shape_cast %swap3A_132 : vector<1x16xi32> to vector<16xi32>
    %swap3A_134 = vector.shape_cast %add3A_128 : vector<16xi32> to vector<1x16xi32>
    tpu.vector_store %arg5[%swap3A_130, %swap3A_131], %swap3A_134 {strides = array<i32>} : memref<8x128xi32, #tpu.memory_space<vmem>>, vector<1x16xi32>,
    %get3A_135 = arith.constant 3 : i32
    %get3A_136 = arith.index_cast %get3A_135 : i32 to index
    %get3A_137 = arith.constant 32 : index
    %get3A_138 = tpu.vector_load %arg5[%get3A_136, %get3A_137] {strides = array<i32>} : memref<8x128xi32, #tpu.memory_space<vmem>>, vector<1x16xi32>,
    %get3A_139 = vector.shape_cast %get3A_138 : vector<1x16xi32> to vector<16xi32>
    %add3A_140 = arith.addi %get3A_139, %broadcast_in_dim3A_16 : vector<16xi32>
    %swap3A_141 = arith.constant 3 : i32
    %swap3A_142 = arith.index_cast %swap3A_141 : i32 to index
    %swap3A_143 = arith.constant 32 : index
    %swap3A_144 = tpu.vector_load %arg5[%swap3A_142, %swap3A_143] {strides = array<i32>} : memref<8x128xi32, #tpu.memory_space<vmem>>, vector<1x16xi32>,
    %swap3A_145 = vector.shape_cast %swap3A_144 : vector<1x16xi32> to vector<16xi32>
    %swap3A_146 = vector.shape_cast %add3A_140 : vector<16xi32> to vector<1x16xi32>
    tpu.vector_store %arg5[%swap3A_142, %swap3A_143], %swap3A_146 {strides = array<i32>} : memref<8x128xi32, #tpu.memory_space<vmem>>, vector<1x16xi32>,
    %get3A_147 = arith.constant 3 : i32
    %get3A_148 = arith.index_cast %get3A_147 : i32 to index
    %get3A_149 = arith.constant 48 : index
    %get3A_150 = tpu.vector_load %arg5[%get3A_148, %get3A_149] {strides = array<i32>} : memref<8x128xi32, #tpu.memory_space<vmem>>, vector<1x16xi32>,
    %get3A_151 = vector.shape_cast %get3A_150 : vector<1x16xi32> to vector<16xi32>
    %add3A_152 = arith.addi %get3A_151, %broadcast_in_dim3A_16 : vector<16xi32>
    %swap3A_153 = arith.constant 3 : i32
    %swap3A_154 = arith.index_cast %swap3A_153 : i32 to index
    %swap3A_155 = arith.constant 48 : index
    %swap3A_156 = tpu.vector_load %arg5[%swap3A_154, %swap3A_155] {strides = array<i32>} : memref<8x128xi32, #tpu.memory_space<vmem>>, vector<1x16xi32>,
    %swap3A_157 = vector.shape_cast %swap3A_156 : vector<1x16xi32> to vector<16xi32>
    %swap3A_158 = vector.shape_cast %add3A_152 : vector<16xi32> to vector<1x16xi32>
    tpu.vector_store %arg5[%swap3A_154, %swap3A_155], %swap3A_158 {strides = array<i32>} : memref<8x128xi32, #tpu.memory_space<vmem>>, vector<1x16xi32>,
    %get3A_159 = arith.constant 3 : i32
    %get3A_160 = arith.index_cast %get3A_159 : i32 to index
    %get3A_161 = arith.constant 64 : index
    %get3A_162 = tpu.vector_load %arg5[%get3A_160, %get3A_161] {strides = array<i32>} : memref<8x128xi32, #tpu.memory_space<vmem>>, vector<1x16xi32>,
    %get3A_163 = vector.shape_cast %get3A_162 : vector<1x16xi32> to vector<16xi32>
    %add3A_164 = arith.addi %get3A_163, %broadcast_in_dim3A_16 : vector<16xi32>
    %swap3A_165 = arith.constant 3 : i32
    %swap3A_166 = arith.index_cast %swap3A_165 : i32 to index
    %swap3A_167 = arith.constant 64 : index
    %swap3A_168 = tpu.vector_load %arg5[%swap3A_166, %swap3A_167] {strides = array<i32>} : memref<8x128xi32, #tpu.memory_space<vmem>>, vector<1x16xi32>,
    %swap3A_169 = vector.shape_cast %swap3A_168 : vector<1x16xi32> to vector<16xi32>
    %swap3A_170 = vector.shape_cast %add3A_164 : vector<16xi32> to vector<1x16xi32>
    tpu.vector_store %arg5[%swap3A_166, %swap3A_167], %swap3A_170 {strides = array<i32>} : memref<8x128xi32, #tpu.memory_space<vmem>>, vector<1x16xi32>,
    %get3A_171 = arith.constant 3 : i32
    %get3A_172 = arith.index_cast %get3A_171 : i32 to index
    %get3A_173 = arith.constant 80 : index
    %get3A_174 = tpu.vector_load %arg5[%get3A_172, %get3A_173] {strides = array<i32>} : memref<8x128xi32, #tpu.memory_space<vmem>>, vector<1x16xi32>,
    %get3A_175 = vector.shape_cast %get3A_174 : vector<1x16xi32> to vector<16xi32>
    %add3A_176 = arith.addi %get3A_175, %broadcast_in_dim3A_16 : vector<16xi32>
    %swap3A_177 = arith.constant 3 : i32
    %swap3A_178 = arith.index_cast %swap3A_177 : i32 to index
    %swap3A_179 = arith.constant 80 : index
    %swap3A_180 = tpu.vector_load %arg5[%swap3A_178, %swap3A_179] {strides = array<i32>} : memref<8x128xi32, #tpu.memory_space<vmem>>, vector<1x16xi32>,
    %swap3A_181 = vector.shape_cast %swap3A_180 : vector<1x16xi32> to vector<16xi32>
    %swap3A_182 = vector.shape_cast %add3A_176 : vector<16xi32> to vector<1x16xi32>
    tpu.vector_store %arg5[%swap3A_178, %swap3A_179], %swap3A_182 {strides = array<i32>} : memref<8x128xi32, #tpu.memory_space<vmem>>, vector<1x16xi32>,
    %get3A_183 = arith.constant 3 : i32
    %get3A_184 = arith.index_cast %get3A_183 : i32 to index
    %get3A_185 = arith.constant 96 : index
    %get3A_186 = tpu.vector_load %arg5[%get3A_184, %get3A_185] {strides = array<i32>} : memref<8x128xi32, #tpu.memory_space<vmem>>, vector<1x16xi32>,
    %get3A_187 = vector.shape_cast %get3A_186 : vector<1x16xi32> to vector<16xi32>
    %add3A_188 = arith.addi %get3A_187, %broadcast_in_dim3A_16 : vector<16xi32>
    %swap3A_189 = arith.constant 3 : i32
    %swap3A_190 = arith.index_cast %swap3A_189 : i32 to index
    %swap3A_191 = arith.constant 96 : index
    %swap3A_192 = tpu.vector_load %arg5[%swap3A_190, %swap3A_191] {strides = array<i32>} : memref<8x128xi32, #tpu.memory_space<vmem>>, vector<1x16xi32>,
    %swap3A_193 = vector.shape_cast %swap3A_192 : vector<1x16xi32> to vector<16xi32>
    %swap3A_194 = vector.shape_cast %add3A_188 : vector<16xi32> to vector<1x16xi32>
    tpu.vector_store %arg5[%swap3A_190, %swap3A_191], %swap3A_194 {strides = array<i32>} : memref<8x128xi32, #tpu.memory_space<vmem>>, vector<1x16xi32>,
    %get3A_195 = arith.constant 3 : i32
    %get3A_196 = arith.index_cast %get3A_195 : i32 to index
    %get3A_197 = arith.constant 112 : index
    %get3A_198 = tpu.vector_load %arg5[%get3A_196, %get3A_197] {strides = array<i32>} : memref<8x128xi32, #tpu.memory_space<vmem>>, vector<1x16xi32>,
    %get3A_199 = vector.shape_cast %get3A_198 : vector<1x16xi32> to vector<16xi32>
    %add3A_200 = arith.addi %get3A_199, %broadcast_in_dim3A_16 : vector<16xi32>
    %swap3A_201 = arith.constant 3 : i32
    %swap3A_202 = arith.index_cast %swap3A_201 : i32 to index
    %swap3A_203 = arith.constant 112 : index
    %swap3A_204 = tpu.vector_load %arg5[%swap3A_202, %swap3A_203] {strides = array<i32>} : memref<8x128xi32, #tpu.memory_space<vmem>>, vector<1x16xi32>,
    %swap3A_205 = vector.shape_cast %swap3A_204 : vector<1x16xi32> to vector<16xi32>
    %swap3A_206 = vector.shape_cast %add3A_200 : vector<16xi32> to vector<1x16xi32>
    tpu.vector_store %arg5[%swap3A_202, %swap3A_203], %swap3A_206 {strides = array<i32>} : memref<8x128xi32, #tpu.memory_space<vmem>>, vector<1x16xi32>,
    %get3A_207 = arith.constant 5 : i32
    %get3A_208 = arith.index_cast %get3A_207 : i32 to index
    %get3A_209 = arith.constant 0 : index
    %get3A_210 = tpu.vector_load %arg5[%get3A_208, %get3A_209] {strides = array<i32>} : memref<8x128xi32, #tpu.memory_space<vmem>>, vector<1x16xi32>,
    %get3A_211 = vector.shape_cast %get3A_210 : vector<1x16xi32> to vector<16xi32>
    %add3A_212 = arith.addi %get3A_211, %broadcast_in_dim3A_16 : vector<16xi32>
    %swap3A_213 = arith.constant 5 : i32
    %swap3A_214 = arith.index_cast %swap3A_213 : i32 to index
    %swap3A_215 = arith.constant 0 : index
    %swap3A_216 = tpu.vector_load %arg5[%swap3A_214, %swap3A_215] {strides = array<i32>} : memref<8x128xi32, #tpu.memory_space<vmem>>, vector<1x16xi32>,
    %swap3A_217 = vector.shape_cast %swap3A_216 : vector<1x16xi32> to vector<16xi32>
    %swap3A_218 = vector.shape_cast %add3A_212 : vector<16xi32> to vector<1x16xi32>
    tpu.vector_store %arg5[%swap3A_214, %swap3A_215], %swap3A_218 {strides = array<i32>} : memref<8x128xi32, #tpu.memory_space<vmem>>, vector<1x16xi32>,
    %get3A_219 = arith.constant 5 : i32
    %get3A_220 = arith.index_cast %get3A_219 : i32 to index
    %get3A_221 = arith.constant 16 : index
    %get3A_222 = tpu.vector_load %arg5[%get3A_220, %get3A_221] {strides = array<i32>} : memref<8x128xi32, #tpu.memory_space<vmem>>, vector<1x16xi32>,
    %get3A_223 = vector.shape_cast %get3A_222 : vector<1x16xi32> to vector<16xi32>
    %add3A_224 = arith.addi %get3A_223, %broadcast_in_dim3A_16 : vector<16xi32>
    %swap3A_225 = arith.constant 5 : i32
    %swap3A_226 = arith.index_cast %swap3A_225 : i32 to index
    %swap3A_227 = arith.constant 16 : index
    %swap3A_228 = tpu.vector_load %arg5[%swap3A_226, %swap3A_227] {strides = array<i32>} : memref<8x128xi32, #tpu.memory_space<vmem>>, vector<1x16xi32>,
    %swap3A_229 = vector.shape_cast %swap3A_228 : vector<1x16xi32> to vector<16xi32>
    %swap3A_230 = vector.shape_cast %add3A_224 : vector<16xi32> to vector<1x16xi32>
    tpu.vector_store %arg5[%swap3A_226, %swap3A_227], %swap3A_230 {strides = array<i32>} : memref<8x128xi32, #tpu.memory_space<vmem>>, vector<1x16xi32>,
    %get3A_231 = arith.constant 5 : i32
    %get3A_232 = arith.index_cast %get3A_231 : i32 to index
    %get3A_233 = arith.constant 32 : index
    %get3A_234 = tpu.vector_load %arg5[%get3A_232, %get3A_233] {strides = array<i32>} : memref<8x128xi32, #tpu.memory_space<vmem>>, vector<1x16xi32>,
    %get3A_235 = vector.shape_cast %get3A_234 : vector<1x16xi32> to vector<16xi32>
    %add3A_236 = arith.addi %get3A_235, %broadcast_in_dim3A_16 : vector<16xi32>
    %swap3A_237 = arith.constant 5 : i32
    %swap3A_238 = arith.index_cast %swap3A_237 : i32 to index
    %swap3A_239 = arith.constant 32 : index
    %swap3A_240 = tpu.vector_load %arg5[%swap3A_238, %swap3A_239] {strides = array<i32>} : memref<8x128xi32, #tpu.memory_space<vmem>>, vector<1x16xi32>,
    %swap3A_241 = vector.shape_cast %swap3A_240 : vector<1x16xi32> to vector<16xi32>
    %swap3A_242 = vector.shape_cast %add3A_236 : vector<16xi32> to vector<1x16xi32>
    tpu.vector_store %arg5[%swap3A_238, %swap3A_239], %swap3A_242 {strides = array<i32>} : memref<8x128xi32, #tpu.memory_space<vmem>>, vector<1x16xi32>,
    %get3A_243 = arith.constant 5 : i32
    %get3A_244 = arith.index_cast %get3A_243 : i32 to index
    %get3A_245 = arith.constant 48 : index
    %get3A_246 = tpu.vector_load %arg5[%get3A_244, %get3A_245] {strides = array<i32>} : memref<8x128xi32, #tpu.memory_space<vmem>>, vector<1x16xi32>,
    %get3A_247 = vector.shape_cast %get3A_246 : vector<1x16xi32> to vector<16xi32>
    %add3A_248 = arith.addi %get3A_247, %broadcast_in_dim3A_16 : vector<16xi32>
    %swap3A_249 = arith.constant 5 : i32
    %swap3A_250 = arith.index_cast %swap3A_249 : i32 to index
    %swap3A_251 = arith.constant 48 : index
    %swap3A_252 = tpu.vector_load %arg5[%swap3A_250, %swap3A_251] {strides = array<i32>} : memref<8x128xi32, #tpu.memory_space<vmem>>, vector<1x16xi32>,
    %swap3A_253 = vector.shape_cast %swap3A_252 : vector<1x16xi32> to vector<16xi32>
    %swap3A_254 = vector.shape_cast %add3A_248 : vector<16xi32> to vector<1x16xi32>
    tpu.vector_store %arg5[%swap3A_250, %swap3A_251], %swap3A_254 {strides = array<i32>} : memref<8x128xi32, #tpu.memory_space<vmem>>, vector<1x16xi32>,
    %get3A_255 = arith.constant 5 : i32
    %get3A_256 = arith.index_cast %get3A_255 : i32 to index
    %get3A_257 = arith.constant 64 : index
    %get3A_258 = tpu.vector_load %arg5[%get3A_256, %get3A_257] {strides = array<i32>} : memref<8x128xi32, #tpu.memory_space<vmem>>, vector<1x16xi32>,
    %get3A_259 = vector.shape_cast %get3A_258 : vector<1x16xi32> to vector<16xi32>
    %add3A_260 = arith.addi %get3A_259, %broadcast_in_dim3A_16 : vector<16xi32>
    %swap3A_261 = arith.constant 5 : i32
    %swap3A_262 = arith.index_cast %swap3A_261 : i32 to index
    %swap3A_263 = arith.constant 64 : index
    %swap3A_264 = tpu.vector_load %arg5[%swap3A_262, %swap3A_263] {strides = array<i32>} : memref<8x128xi32, #tpu.memory_space<vmem>>, vector<1x16xi32>,
    %swap3A_265 = vector.shape_cast %swap3A_264 : vector<1x16xi32> to vector<16xi32>
    %swap3A_266 = vector.shape_cast %add3A_260 : vector<16xi32> to vector<1x16xi32>
    tpu.vector_store %arg5[%swap3A_262, %swap3A_263], %swap3A_266 {strides = array<i32>} : memref<8x128xi32, #tpu.memory_space<vmem>>, vector<1x16xi32>,
    %get3A_267 = arith.constant 5 : i32
    %get3A_268 = arith.index_cast %get3A_267 : i32 to index
    %get3A_269 = arith.constant 80 : index
    %get3A_270 = tpu.vector_load %arg5[%get3A_268, %get3A_269] {strides = array<i32>} : memref<8x128xi32, #tpu.memory_space<vmem>>, vector<1x16xi32>,
    %get3A_271 = vector.shape_cast %get3A_270 : vector<1x16xi32> to vector<16xi32>
    %add3A_272 = arith.addi %get3A_271, %broadcast_in_dim3A_16 : vector<16xi32>
    %swap3A_273 = arith.constant 5 : i32
    %swap3A_274 = arith.index_cast %swap3A_273 : i32 to index
    %swap3A_275 = arith.constant 80 : index
    %swap3A_276 = tpu.vector_load %arg5[%swap3A_274, %swap3A_275] {strides = array<i32>} : memref<8x128xi32, #tpu.memory_space<vmem>>, vector<1x16xi32>,
    %swap3A_277 = vector.shape_cast %swap3A_276 : vector<1x16xi32> to vector<16xi32>
    %swap3A_278 = vector.shape_cast %add3A_272 : vector<16xi32> to vector<1x16xi32>
    tpu.vector_store %arg5[%swap3A_274, %swap3A_275], %swap3A_278 {strides = array<i32>} : memref<8x128xi32, #tpu.memory_space<vmem>>, vector<1x16xi32>,
    %get3A_279 = arith.constant 5 : i32
    %get3A_280 = arith.index_cast %get3A_279 : i32 to index
    %get3A_281 = arith.constant 96 : index
    %get3A_282 = tpu.vector_load %arg5[%get3A_280, %get3A_281] {strides = array<i32>} : memref<8x128xi32, #tpu.memory_space<vmem>>, vector<1x16xi32>,
    %get3A_283 = vector.shape_cast %get3A_282 : vector<1x16xi32> to vector<16xi32>
    %add3A_284 = arith.addi %get3A_283, %broadcast_in_dim3A_16 : vector<16xi32>
    %swap3A_285 = arith.constant 5 : i32
    %swap3A_286 = arith.index_cast %swap3A_285 : i32 to index
    %swap3A_287 = arith.constant 96 : index
    %swap3A_288 = tpu.vector_load %arg5[%swap3A_286, %swap3A_287] {strides = array<i32>} : memref<8x128xi32, #tpu.memory_space<vmem>>, vector<1x16xi32>,
    %swap3A_289 = vector.shape_cast %swap3A_288 : vector<1x16xi32> to vector<16xi32>
    %swap3A_290 = vector.shape_cast %add3A_284 : vector<16xi32> to vector<1x16xi32>
    tpu.vector_store %arg5[%swap3A_286, %swap3A_287], %swap3A_290 {strides = array<i32>} : memref<8x128xi32, #tpu.memory_space<vmem>>, vector<1x16xi32>,
    %get3A_291 = arith.constant 5 : i32
    %get3A_292 = arith.index_cast %get3A_291 : i32 to index
    %get3A_293 = arith.constant 112 : index
    %get3A_294 = tpu.vector_load %arg5[%get3A_292, %get3A_293] {strides = array<i32>} : memref<8x128xi32, #tpu.memory_space<vmem>>, vector<1x16xi32>,
    %get3A_295 = vector.shape_cast %get3A_294 : vector<1x16xi32> to vector<16xi32>
    %add3A_296 = arith.addi %get3A_295, %broadcast_in_dim3A_16 : vector<16xi32>
    %swap3A_297 = arith.constant 5 : i32
    %swap3A_298 = arith.index_cast %swap3A_297 : i32 to index
    %swap3A_299 = arith.constant 112 : index
    %swap3A_300 = tpu.vector_load %arg5[%swap3A_298, %swap3A_299] {strides = array<i32>} : memref<8x128xi32, #tpu.memory_space<vmem>>, vector<1x16xi32>,
    %swap3A_301 = vector.shape_cast %swap3A_300 : vector<1x16xi32> to vector<16xi32>
    %swap3A_302 = vector.shape_cast %add3A_296 : vector<16xi32> to vector<1x16xi32>
    tpu.vector_store %arg5[%swap3A_298, %swap3A_299], %swap3A_302 {strides = array<i32>} : memref<8x128xi32, #tpu.memory_space<vmem>>, vector<1x16xi32>,
    %get3A_303 = arith.constant 7 : i32
    %get3A_304 = arith.index_cast %get3A_303 : i32 to index
    %get3A_305 = arith.constant 0 : index
    %get3A_306 = tpu.vector_load %arg5[%get3A_304, %get3A_305] {strides = array<i32>} : memref<8x128xi32, #tpu.memory_space<vmem>>, vector<1x16xi32>,
    %get3A_307 = vector.shape_cast %get3A_306 : vector<1x16xi32> to vector<16xi32>
    %add3A_308 = arith.addi %get3A_307, %broadcast_in_dim3A_16 : vector<16xi32>
    %swap3A_309 = arith.constant 7 : i32
    %swap3A_310 = arith.index_cast %swap3A_309 : i32 to index
    %swap3A_311 = arith.constant 0 : index
    %swap3A_312 = tpu.vector_load %arg5[%swap3A_310, %swap3A_311] {strides = array<i32>} : memref<8x128xi32, #tpu.memory_space<vmem>>, vector<1x16xi32>,
    %swap3A_313 = vector.shape_cast %swap3A_312 : vector<1x16xi32> to vector<16xi32>
    %swap3A_314 = vector.shape_cast %add3A_308 : vector<16xi32> to vector<1x16xi32>
    tpu.vector_store %arg5[%swap3A_310, %swap3A_311], %swap3A_314 {strides = array<i32>} : memref<8x128xi32, #tpu.memory_space<vmem>>, vector<1x16xi32>,
    %get3A_315 = arith.constant 7 : i32
    %get3A_316 = arith.index_cast %get3A_315 : i32 to index
    %get3A_317 = arith.constant 16 : index
    %get3A_318 = tpu.vector_load %arg5[%get3A_316, %get3A_317] {strides = array<i32>} : memref<8x128xi32, #tpu.memory_space<vmem>>, vector<1x16xi32>,
    %get3A_319 = vector.shape_cast %get3A_318 : vector<1x16xi32> to vector<16xi32>
    %add3A_320 = arith.addi %get3A_319, %broadcast_in_dim3A_16 : vector<16xi32>
    %swap3A_321 = arith.constant 7 : i32
    %swap3A_322 = arith.index_cast %swap3A_321 : i32 to index
    %swap3A_323 = arith.constant 16 : index
    %swap3A_324 = tpu.vector_load %arg5[%swap3A_322, %swap3A_323] {strides = array<i32>} : memref<8x128xi32, #tpu.memory_space<vmem>>, vector<1x16xi32>,
    %swap3A_325 = vector.shape_cast %swap3A_324 : vector<1x16xi32> to vector<16xi32>
    %swap3A_326 = vector.shape_cast %add3A_320 : vector<16xi32> to vector<1x16xi32>
    tpu.vector_store %arg5[%swap3A_322, %swap3A_323], %swap3A_326 {strides = array<i32>} : memref<8x128xi32, #tpu.memory_space<vmem>>, vector<1x16xi32>,
    %get3A_327 = arith.constant 7 : i32
    %get3A_328 = arith.index_cast %get3A_327 : i32 to index
    %get3A_329 = arith.constant 32 : index
    %get3A_330 = tpu.vector_load %arg5[%get3A_328, %get3A_329] {strides = array<i32>} : memref<8x128xi32, #tpu.memory_space<vmem>>, vector<1x16xi32>,
    %get3A_331 = vector.shape_cast %get3A_330 : vector<1x16xi32> to vector<16xi32>
    %add3A_332 = arith.addi %get3A_331, %broadcast_in_dim3A_16 : vector<16xi32>
    %swap3A_333 = arith.constant 7 : i32
    %swap3A_334 = arith.index_cast %swap3A_333 : i32 to index
    %swap3A_335 = arith.constant 32 : index
    %swap3A_336 = tpu.vector_load %arg5[%swap3A_334, %swap3A_335] {strides = array<i32>} : memref<8x128xi32, #tpu.memory_space<vmem>>, vector<1x16xi32>,
    %swap3A_337 = vector.shape_cast %swap3A_336 : vector<1x16xi32> to vector<16xi32>
    %swap3A_338 = vector.shape_cast %add3A_332 : vector<16xi32> to vector<1x16xi32>
    tpu.vector_store %arg5[%swap3A_334, %swap3A_335], %swap3A_338 {strides = array<i32>} : memref<8x128xi32, #tpu.memory_space<vmem>>, vector<1x16xi32>,
    %get3A_339 = arith.constant 7 : i32
    %get3A_340 = arith.index_cast %get3A_339 : i32 to index
    %get3A_341 = arith.constant 48 : index
    %get3A_342 = tpu.vector_load %arg5[%get3A_340, %get3A_341] {strides = array<i32>} : memref<8x128xi32, #tpu.memory_space<vmem>>, vector<1x16xi32>,
    %get3A_343 = vector.shape_cast %get3A_342 : vector<1x16xi32> to vector<16xi32>
    %add3A_344 = arith.addi %get3A_343, %broadcast_in_dim3A_16 : vector<16xi32>
    %swap3A_345 = arith.constant 7 : i32
    %swap3A_346 = arith.index_cast %swap3A_345 : i32 to index
    %swap3A_347 = arith.constant 48 : index
    %swap3A_348 = tpu.vector_load %arg5[%swap3A_346, %swap3A_347] {strides = array<i32>} : memref<8x128xi32, #tpu.memory_space<vmem>>, vector<1x16xi32>,
    %swap3A_349 = vector.shape_cast %swap3A_348 : vector<1x16xi32> to vector<16xi32>
    %swap3A_350 = vector.shape_cast %add3A_344 : vector<16xi32> to vector<1x16xi32>
    tpu.vector_store %arg5[%swap3A_346, %swap3A_347], %swap3A_350 {strides = array<i32>} : memref<8x128xi32, #tpu.memory_space<vmem>>, vector<1x16xi32>,
    %get3A_351 = arith.constant 7 : i32
    %get3A_352 = arith.index_cast %get3A_351 : i32 to index
    %get3A_353 = arith.constant 64 : index
    %get3A_354 = tpu.vector_load %arg5[%get3A_352, %get3A_353] {strides = array<i32>} : memref<8x128xi32, #tpu.memory_space<vmem>>, vector<1x16xi32>,
    %get3A_355 = vector.shape_cast %get3A_354 : vector<1x16xi32> to vector<16xi32>
    %add3A_356 = arith.addi %get3A_355, %broadcast_in_dim3A_16 : vector<16xi32>
    %swap3A_357 = arith.constant 7 : i32
    %swap3A_358 = arith.index_cast %swap3A_357 : i32 to index
    %swap3A_359 = arith.constant 64 : index
    %swap3A_360 = tpu.vector_load %arg5[%swap3A_358, %swap3A_359] {strides = array<i32>} : memref<8x128xi32, #tpu.memory_space<vmem>>, vector<1x16xi32>,
    %swap3A_361 = vector.shape_cast %swap3A_360 : vector<1x16xi32> to vector<16xi32>
    %swap3A_362 = vector.shape_cast %add3A_356 : vector<16xi32> to vector<1x16xi32>
    tpu.vector_store %arg5[%swap3A_358, %swap3A_359], %swap3A_362 {strides = array<i32>} : memref<8x128xi32, #tpu.memory_space<vmem>>, vector<1x16xi32>,
    %get3A_363 = arith.constant 7 : i32
    %get3A_364 = arith.index_cast %get3A_363 : i32 to index
    %get3A_365 = arith.constant 80 : index
    %get3A_366 = tpu.vector_load %arg5[%get3A_364, %get3A_365] {strides = array<i32>} : memref<8x128xi32, #tpu.memory_space<vmem>>, vector<1x16xi32>,
    %get3A_367 = vector.shape_cast %get3A_366 : vector<1x16xi32> to vector<16xi32>
    %add3A_368 = arith.addi %get3A_367, %broadcast_in_dim3A_16 : vector<16xi32>
    %swap3A_369 = arith.constant 7 : i32
    %swap3A_370 = arith.index_cast %swap3A_369 : i32 to index
    %swap3A_371 = arith.constant 80 : index
    %swap3A_372 = tpu.vector_load %arg5[%swap3A_370, %swap3A_371] {strides = array<i32>} : memref<8x128xi32, #tpu.memory_space<vmem>>, vector<1x16xi32>,
    %swap3A_373 = vector.shape_cast %swap3A_372 : vector<1x16xi32> to vector<16xi32>
    %swap3A_374 = vector.shape_cast %add3A_368 : vector<16xi32> to vector<1x16xi32>
    tpu.vector_store %arg5[%swap3A_370, %swap3A_371], %swap3A_374 {strides = array<i32>} : memref<8x128xi32, #tpu.memory_space<vmem>>, vector<1x16xi32>,
    %get3A_375 = arith.constant 7 : i32
    %get3A_376 = arith.index_cast %get3A_375 : i32 to index
    %get3A_377 = arith.constant 96 : index
    %get3A_378 = tpu.vector_load %arg5[%get3A_376, %get3A_377] {strides = array<i32>} : memref<8x128xi32, #tpu.memory_space<vmem>>, vector<1x16xi32>,
    %get3A_379 = vector.shape_cast %get3A_378 : vector<1x16xi32> to vector<16xi32>
    %add3A_380 = arith.addi %get3A_379, %broadcast_in_dim3A_16 : vector<16xi32>
    %swap3A_381 = arith.constant 7 : i32
    %swap3A_382 = arith.index_cast %swap3A_381 : i32 to index
    %swap3A_383 = arith.constant 96 : index
    %swap3A_384 = tpu.vector_load %arg5[%swap3A_382, %swap3A_383] {strides = array<i32>} : memref<8x128xi32, #tpu.memory_space<vmem>>, vector<1x16xi32>,
    %swap3A_385 = vector.shape_cast %swap3A_384 : vector<1x16xi32> to vector<16xi32>
    %swap3A_386 = vector.shape_cast %add3A_380 : vector<16xi32> to vector<1x16xi32>
    tpu.vector_store %arg5[%swap3A_382, %swap3A_383], %swap3A_386 {strides = array<i32>} : memref<8x128xi32, #tpu.memory_space<vmem>>, vector<1x16xi32>,
    %get3A_387 = arith.constant 7 : i32
    %get3A_388 = arith.index_cast %get3A_387 : i32 to index
    %get3A_389 = arith.constant 112 : index
    %get3A_390 = tpu.vector_load %arg5[%get3A_388, %get3A_389] {strides = array<i32>} : memref<8x128xi32, #tpu.memory_space<vmem>>, vector<1x16xi32>,
    %get3A_391 = vector.shape_cast %get3A_390 : vector<1x16xi32> to vector<16xi32>
    %add3A_392 = arith.addi %get3A_391, %broadcast_in_dim3A_16 : vector<16xi32>
    %swap3A_393 = arith.constant 7 : i32
    %swap3A_394 = arith.index_cast %swap3A_393 : i32 to index
    %swap3A_395 = arith.constant 112 : index
    %swap3A_396 = tpu.vector_load %arg5[%swap3A_394, %swap3A_395] {strides = array<i32>} : memref<8x128xi32, #tpu.memory_space<vmem>>, vector<1x16xi32>,
    %swap3A_397 = vector.shape_cast %swap3A_396 : vector<1x16xi32> to vector<16xi32>
    %swap3A_398 = vector.shape_cast %add3A_392 : vector<16xi32> to vector<1x16xi32>
    tpu.vector_store %arg5[%swap3A_394, %swap3A_395], %swap3A_398 {strides = array<i32>} : memref<8x128xi32, #tpu.memory_space<vmem>>, vector<1x16xi32>,
    %dma_start3A_399 = arith.constant 0 : i32
    %dma_start3A_400 = arith.constant 0 : i32
    %dma_start3A_401 = arith.constant 0 : i32
    %dma_start3A_402 = arith.constant 0 : i32
    %dma_start3A_403 = tpu.memref_slice %arg6[%dma_start3A_401, %dma_start3A_402] : memref<512x64xf32, #tpu.memory_space<vmem>> -> memref<128x64xf32, #tpu.memory_space<vmem>>
    %dma_start3A_404 = arith.constant 0 : i32
    %dma_start3A_405 = tpu.memref_slice %arg5[%dma_start3A_399, %dma_start3A_404] : memref<8x128xi32, #tpu.memory_space<vmem>> -> memref<1x128xi32, #tpu.memory_space<vmem>>
    %dma_start3A_406 = tpu.memref_squeeze %dma_start3A_405 : memref<1x128xi32, #tpu.memory_space<vmem>> -> memref<128xi32, #tpu.memory_space<vmem>>
    %dma_start3A_407 = arith.constant 0 : i32
    %dma_start3A_408 = arith.constant 0 : i32
    %dma_start3A_409 = tpu.memref_slice %arg8[%dma_start3A_407, %dma_start3A_408] : memref<2000x64xf32, #tpu.memory_space<vmem_shared>> -> memref<2000x64xf32, #tpu.memory_space<vmem_shared>>
    %dma_start3A_410 = tpu.memref_slice %arg9[%dma_start3A_400] : memref<8x!tpu.dma_semaphore, #tpu.memory_space<semaphore_mem>> -> memref<1x!tpu.dma_semaphore, #tpu.memory_space<semaphore_mem>>
    %dma_start3A_411 = tpu.memref_squeeze %dma_start3A_410 : memref<1x!tpu.dma_semaphore, #tpu.memory_space<semaphore_mem>> -> memref<!tpu.dma_semaphore, #tpu.memory_space<semaphore_mem>>
    tpu.enqueue_indirect_dma source(%dma_start3A_409 : memref<2000x64xf32, #tpu.memory_space<vmem_shared>>) target(%dma_start3A_403 : memref<128x64xf32, #tpu.memory_space<vmem>>) offsets(%dma_start3A_406 : memref<128xi32, #tpu.memory_space<vmem>>) semaphore(%dma_start3A_411 : memref<!tpu.dma_semaphore, #tpu.memory_space<semaphore_mem>>)
    %dma_start3A_412 = arith.constant 1 : i32
    %dma_start3A_413 = arith.constant 1 : i32
    %dma_start3A_414 = arith.constant 0 : i32
    %dma_start3A_415 = arith.constant 0 : i32
    %dma_start3A_416 = tpu.memref_slice %arg7[%dma_start3A_414, %dma_start3A_415] : memref<512x64xf32, #tpu.memory_space<vmem>> -> memref<128x64xf32, #tpu.memory_space<vmem>>
    %dma_start3A_417 = arith.constant 0 : i32
    %dma_start3A_418 = tpu.memref_slice %arg5[%dma_start3A_412, %dma_start3A_417] : memref<8x128xi32, #tpu.memory_space<vmem>> -> memref<1x128xi32, #tpu.memory_space<vmem>>
    %dma_start3A_419 = tpu.memref_squeeze %dma_start3A_418 : memref<1x128xi32, #tpu.memory_space<vmem>> -> memref<128xi32, #tpu.memory_space<vmem>>
    %dma_start3A_420 = arith.constant 0 : i32
    %dma_start3A_421 = arith.constant 0 : i32
    %dma_start3A_422 = tpu.memref_slice %arg8[%dma_start3A_420, %dma_start3A_421] : memref<2000x64xf32, #tpu.memory_space<vmem_shared>> -> memref<2000x64xf32, #tpu.memory_space<vmem_shared>>
    %dma_start3A_423 = tpu.memref_slice %arg9[%dma_start3A_413] : memref<8x!tpu.dma_semaphore, #tpu.memory_space<semaphore_mem>> -> memref<1x!tpu.dma_semaphore, #tpu.memory_space<semaphore_mem>>
    %dma_start3A_424 = tpu.memref_squeeze %dma_start3A_423 : memref<1x!tpu.dma_semaphore, #tpu.memory_space<semaphore_mem>> -> memref<!tpu.dma_semaphore, #tpu.memory_space<semaphore_mem>>
    tpu.enqueue_indirect_dma source(%dma_start3A_422 : memref<2000x64xf32, #tpu.memory_space<vmem_shared>>) target(%dma_start3A_416 : memref<128x64xf32, #tpu.memory_space<vmem>>) offsets(%dma_start3A_419 : memref<128xi32, #tpu.memory_space<vmem>>) semaphore(%dma_start3A_424 : memref<!tpu.dma_semaphore, #tpu.memory_space<semaphore_mem>>)
    %dma_start3A_425 = arith.constant 2 : i32
    %dma_start3A_426 = arith.constant 2 : i32
    %dma_start3A_427 = arith.constant 128 : i32
    %dma_start3A_428 = arith.constant 0 : i32
    %dma_start3A_429 = tpu.memref_slice %arg6[%dma_start3A_427, %dma_start3A_428] : memref<512x64xf32, #tpu.memory_space<vmem>> -> memref<128x64xf32, #tpu.memory_space<vmem>>
    %dma_start3A_430 = arith.constant 0 : i32
    %dma_start3A_431 = tpu.memref_slice %arg5[%dma_start3A_425, %dma_start3A_430] : memref<8x128xi32, #tpu.memory_space<vmem>> -> memref<1x128xi32, #tpu.memory_space<vmem>>
    %dma_start3A_432 = tpu.memref_squeeze %dma_start3A_431 : memref<1x128xi32, #tpu.memory_space<vmem>> -> memref<128xi32, #tpu.memory_space<vmem>>
    %dma_start3A_433 = arith.constant 0 : i32
    %dma_start3A_434 = arith.constant 0 : i32
    %dma_start3A_435 = tpu.memref_slice %arg8[%dma_start3A_433, %dma_start3A_434] : memref<2000x64xf32, #tpu.memory_space<vmem_shared>> -> memref<2000x64xf32, #tpu.memory_space<vmem_shared>>
    %dma_start3A_436 = tpu.memref_slice %arg9[%dma_start3A_426] : memref<8x!tpu.dma_semaphore, #tpu.memory_space<semaphore_mem>> -> memref<1x!tpu.dma_semaphore, #tpu.memory_space<semaphore_mem>>
    %dma_start3A_437 = tpu.memref_squeeze %dma_start3A_436 : memref<1x!tpu.dma_semaphore, #tpu.memory_space<semaphore_mem>> -> memref<!tpu.dma_semaphore, #tpu.memory_space<semaphore_mem>>
    tpu.enqueue_indirect_dma source(%dma_start3A_435 : memref<2000x64xf32, #tpu.memory_space<vmem_shared>>) target(%dma_start3A_429 : memref<128x64xf32, #tpu.memory_space<vmem>>) offsets(%dma_start3A_432 : memref<128xi32, #tpu.memory_space<vmem>>) semaphore(%dma_start3A_437 : memref<!tpu.dma_semaphore, #tpu.memory_space<semaphore_mem>>)
    %dma_start3A_438 = arith.constant 3 : i32
    %dma_start3A_439 = arith.constant 3 : i32
    %dma_start3A_440 = arith.constant 128 : i32
    %dma_start3A_441 = arith.constant 0 : i32
    %dma_start3A_442 = tpu.memref_slice %arg7[%dma_start3A_440, %dma_start3A_441] : memref<512x64xf32, #tpu.memory_space<vmem>> -> memref<128x64xf32, #tpu.memory_space<vmem>>
    %dma_start3A_443 = arith.constant 0 : i32
    %dma_start3A_444 = tpu.memref_slice %arg5[%dma_start3A_438, %dma_start3A_443] : memref<8x128xi32, #tpu.memory_space<vmem>> -> memref<1x128xi32, #tpu.memory_space<vmem>>
    %dma_start3A_445 = tpu.memref_squeeze %dma_start3A_444 : memref<1x128xi32, #tpu.memory_space<vmem>> -> memref<128xi32, #tpu.memory_space<vmem>>
    %dma_start3A_446 = arith.constant 0 : i32
    %dma_start3A_447 = arith.constant 0 : i32
    %dma_start3A_448 = tpu.memref_slice %arg8[%dma_start3A_446, %dma_start3A_447] : memref<2000x64xf32, #tpu.memory_space<vmem_shared>> -> memref<2000x64xf32, #tpu.memory_space<vmem_shared>>
    %dma_start3A_449 = tpu.memref_slice %arg9[%dma_start3A_439] : memref<8x!tpu.dma_semaphore, #tpu.memory_space<semaphore_mem>> -> memref<1x!tpu.dma_semaphore, #tpu.memory_space<semaphore_mem>>
    %dma_start3A_450 = tpu.memref_squeeze %dma_start3A_449 : memref<1x!tpu.dma_semaphore, #tpu.memory_space<semaphore_mem>> -> memref<!tpu.dma_semaphore, #tpu.memory_space<semaphore_mem>>
    tpu.enqueue_indirect_dma source(%dma_start3A_448 : memref<2000x64xf32, #tpu.memory_space<vmem_shared>>) target(%dma_start3A_442 : memref<128x64xf32, #tpu.memory_space<vmem>>) offsets(%dma_start3A_445 : memref<128xi32, #tpu.memory_space<vmem>>) semaphore(%dma_start3A_450 : memref<!tpu.dma_semaphore, #tpu.memory_space<semaphore_mem>>)
    %dma_start3A_451 = arith.constant 4 : i32
    %dma_start3A_452 = arith.constant 4 : i32
    %dma_start3A_453 = arith.constant 256 : i32
    %dma_start3A_454 = arith.constant 0 : i32
    %dma_start3A_455 = tpu.memref_slice %arg6[%dma_start3A_453, %dma_start3A_454] : memref<512x64xf32, #tpu.memory_space<vmem>> -> memref<128x64xf32, #tpu.memory_space<vmem>>
    %dma_start3A_456 = arith.constant 0 : i32
    %dma_start3A_457 = tpu.memref_slice %arg5[%dma_start3A_451, %dma_start3A_456] : memref<8x128xi32, #tpu.memory_space<vmem>> -> memref<1x128xi32, #tpu.memory_space<vmem>>
    %dma_start3A_458 = tpu.memref_squeeze %dma_start3A_457 : memref<1x128xi32, #tpu.memory_space<vmem>> -> memref<128xi32, #tpu.memory_space<vmem>>
    %dma_start3A_459 = arith.constant 0 : i32
    %dma_start3A_460 = arith.constant 0 : i32
    %dma_start3A_461 = tpu.memref_slice %arg8[%dma_start3A_459, %dma_start3A_460] : memref<2000x64xf32, #tpu.memory_space<vmem_shared>> -> memref<2000x64xf32, #tpu.memory_space<vmem_shared>>
    %dma_start3A_462 = tpu.memref_slice %arg9[%dma_start3A_452] : memref<8x!tpu.dma_semaphore, #tpu.memory_space<semaphore_mem>> -> memref<1x!tpu.dma_semaphore, #tpu.memory_space<semaphore_mem>>
    %dma_start3A_463 = tpu.memref_squeeze %dma_start3A_462 : memref<1x!tpu.dma_semaphore, #tpu.memory_space<semaphore_mem>> -> memref<!tpu.dma_semaphore, #tpu.memory_space<semaphore_mem>>
    tpu.enqueue_indirect_dma source(%dma_start3A_461 : memref<2000x64xf32, #tpu.memory_space<vmem_shared>>) target(%dma_start3A_455 : memref<128x64xf32, #tpu.memory_space<vmem>>) offsets(%dma_start3A_458 : memref<128xi32, #tpu.memory_space<vmem>>) semaphore(%dma_start3A_463 : memref<!tpu.dma_semaphore, #tpu.memory_space<semaphore_mem>>)
    %dma_start3A_464 = arith.constant 5 : i32
    %dma_start3A_465 = arith.constant 5 : i32
    %dma_start3A_466 = arith.constant 256 : i32
    %dma_start3A_467 = arith.constant 0 : i32
    %dma_start3A_468 = tpu.memref_slice %arg7[%dma_start3A_466, %dma_start3A_467] : memref<512x64xf32, #tpu.memory_space<vmem>> -> memref<128x64xf32, #tpu.memory_space<vmem>>
    %dma_start3A_469 = arith.constant 0 : i32
    %dma_start3A_470 = tpu.memref_slice %arg5[%dma_start3A_464, %dma_start3A_469] : memref<8x128xi32, #tpu.memory_space<vmem>> -> memref<1x128xi32, #tpu.memory_space<vmem>>
    %dma_start3A_471 = tpu.memref_squeeze %dma_start3A_470 : memref<1x128xi32, #tpu.memory_space<vmem>> -> memref<128xi32, #tpu.memory_space<vmem>>
    %dma_start3A_472 = arith.constant 0 : i32
    %dma_start3A_473 = arith.constant 0 : i32
    %dma_start3A_474 = tpu.memref_slice %arg8[%dma_start3A_472, %dma_start3A_473] : memref<2000x64xf32, #tpu.memory_space<vmem_shared>> -> memref<2000x64xf32, #tpu.memory_space<vmem_shared>>
    %dma_start3A_475 = tpu.memref_slice %arg9[%dma_start3A_465] : memref<8x!tpu.dma_semaphore, #tpu.memory_space<semaphore_mem>> -> memref<1x!tpu.dma_semaphore, #tpu.memory_space<semaphore_mem>>
    %dma_start3A_476 = tpu.memref_squeeze %dma_start3A_475 : memref<1x!tpu.dma_semaphore, #tpu.memory_space<semaphore_mem>> -> memref<!tpu.dma_semaphore, #tpu.memory_space<semaphore_mem>>
    tpu.enqueue_indirect_dma source(%dma_start3A_474 : memref<2000x64xf32, #tpu.memory_space<vmem_shared>>) target(%dma_start3A_468 : memref<128x64xf32, #tpu.memory_space<vmem>>) offsets(%dma_start3A_471 : memref<128xi32, #tpu.memory_space<vmem>>) semaphore(%dma_start3A_476 : memref<!tpu.dma_semaphore, #tpu.memory_space<semaphore_mem>>)
    %dma_start3A_477 = arith.constant 6 : i32
    %dma_start3A_478 = arith.constant 6 : i32
    %dma_start3A_479 = arith.constant 384 : i32
    %dma_start3A_480 = arith.constant 0 : i32
    %dma_start3A_481 = tpu.memref_slice %arg6[%dma_start3A_479, %dma_start3A_480] : memref<512x64xf32, #tpu.memory_space<vmem>> -> memref<128x64xf32, #tpu.memory_space<vmem>>
    %dma_start3A_482 = arith.constant 0 : i32
    %dma_start3A_483 = tpu.memref_slice %arg5[%dma_start3A_477, %dma_start3A_482] : memref<8x128xi32, #tpu.memory_space<vmem>> -> memref<1x128xi32, #tpu.memory_space<vmem>>
    %dma_start3A_484 = tpu.memref_squeeze %dma_start3A_483 : memref<1x128xi32, #tpu.memory_space<vmem>> -> memref<128xi32, #tpu.memory_space<vmem>>
    %dma_start3A_485 = arith.constant 0 : i32
    %dma_start3A_486 = arith.constant 0 : i32
    %dma_start3A_487 = tpu.memref_slice %arg8[%dma_start3A_485, %dma_start3A_486] : memref<2000x64xf32, #tpu.memory_space<vmem_shared>> -> memref<2000x64xf32, #tpu.memory_space<vmem_shared>>
    %dma_start3A_488 = tpu.memref_slice %arg9[%dma_start3A_478] : memref<8x!tpu.dma_semaphore, #tpu.memory_space<semaphore_mem>> -> memref<1x!tpu.dma_semaphore, #tpu.memory_space<semaphore_mem>>
    %dma_start3A_489 = tpu.memref_squeeze %dma_start3A_488 : memref<1x!tpu.dma_semaphore, #tpu.memory_space<semaphore_mem>> -> memref<!tpu.dma_semaphore, #tpu.memory_space<semaphore_mem>>
    tpu.enqueue_indirect_dma source(%dma_start3A_487 : memref<2000x64xf32, #tpu.memory_space<vmem_shared>>) target(%dma_start3A_481 : memref<128x64xf32, #tpu.memory_space<vmem>>) offsets(%dma_start3A_484 : memref<128xi32, #tpu.memory_space<vmem>>) semaphore(%dma_start3A_489 : memref<!tpu.dma_semaphore, #tpu.memory_space<semaphore_mem>>)
    %dma_start3A_490 = arith.constant 7 : i32
    %dma_start3A_491 = arith.constant 7 : i32
    %dma_start3A_492 = arith.constant 384 : i32
    %dma_start3A_493 = arith.constant 0 : i32
    %dma_start3A_494 = tpu.memref_slice %arg7[%dma_start3A_492, %dma_start3A_493] : memref<512x64xf32, #tpu.memory_space<vmem>> -> memref<128x64xf32, #tpu.memory_space<vmem>>
    %dma_start3A_495 = arith.constant 0 : i32
    %dma_start3A_496 = tpu.memref_slice %arg5[%dma_start3A_490, %dma_start3A_495] : memref<8x128xi32, #tpu.memory_space<vmem>> -> memref<1x128xi32, #tpu.memory_space<vmem>>
    %dma_start3A_497 = tpu.memref_squeeze %dma_start3A_496 : memref<1x128xi32, #tpu.memory_space<vmem>> -> memref<128xi32, #tpu.memory_space<vmem>>
    %dma_start3A_498 = arith.constant 0 : i32
    %dma_start3A_499 = arith.constant 0 : i32
    %dma_start3A_500 = tpu.memref_slice %arg8[%dma_start3A_498, %dma_start3A_499] : memref<2000x64xf32, #tpu.memory_space<vmem_shared>> -> memref<2000x64xf32, #tpu.memory_space<vmem_shared>>
    %dma_start3A_501 = tpu.memref_slice %arg9[%dma_start3A_491] : memref<8x!tpu.dma_semaphore, #tpu.memory_space<semaphore_mem>> -> memref<1x!tpu.dma_semaphore, #tpu.memory_space<semaphore_mem>>
    %dma_start3A_502 = tpu.memref_squeeze %dma_start3A_501 : memref<1x!tpu.dma_semaphore, #tpu.memory_space<semaphore_mem>> -> memref<!tpu.dma_semaphore, #tpu.memory_space<semaphore_mem>>
    tpu.enqueue_indirect_dma source(%dma_start3A_500 : memref<2000x64xf32, #tpu.memory_space<vmem_shared>>) target(%dma_start3A_494 : memref<128x64xf32, #tpu.memory_space<vmem>>) offsets(%dma_start3A_497 : memref<128xi32, #tpu.memory_space<vmem>>) semaphore(%dma_start3A_502 : memref<!tpu.dma_semaphore, #tpu.memory_space<semaphore_mem>>)
    %add3A_503 = arith.constant 0 : i32
    %add3A_504 = arith.addi %multiple_of3A_12, %add3A_503 : i32
    %dma_wait3A_505 = arith.constant 0 : i32
    %dma_wait3A_506 = arith.constant 0 : i32
    %dma_wait3A_507 = arith.constant 0 : i32
    %dma_wait3A_508 = arith.constant 0 : i32
    %dma_wait3A_509 = tpu.memref_slice %arg6[%dma_wait3A_507, %dma_wait3A_508] : memref<512x64xf32, #tpu.memory_space<vmem>> -> memref<128x64xf32, #tpu.memory_space<vmem>>
    %dma_wait3A_510 = arith.constant 0 : i32
    %dma_wait3A_511 = tpu.memref_slice %arg5[%dma_wait3A_505, %dma_wait3A_510] : memref<8x128xi32, #tpu.memory_space<vmem>> -> memref<1x128xi32, #tpu.memory_space<vmem>>
    %dma_wait3A_512 = tpu.memref_squeeze %dma_wait3A_511 : memref<1x128xi32, #tpu.memory_space<vmem>> -> memref<128xi32, #tpu.memory_space<vmem>>
    %dma_wait3A_513 = arith.constant 0 : i32
    %dma_wait3A_514 = arith.constant 0 : i32
    %dma_wait3A_515 = tpu.memref_slice %arg8[%dma_wait3A_513, %dma_wait3A_514] : memref<2000x64xf32, #tpu.memory_space<vmem_shared>> -> memref<2000x64xf32, #tpu.memory_space<vmem_shared>>
    %dma_wait3A_516 = tpu.memref_slice %arg9[%dma_wait3A_506] : memref<8x!tpu.dma_semaphore, #tpu.memory_space<semaphore_mem>> -> memref<1x!tpu.dma_semaphore, #tpu.memory_space<semaphore_mem>>
    %dma_wait3A_517 = tpu.memref_squeeze %dma_wait3A_516 : memref<1x!tpu.dma_semaphore, #tpu.memory_space<semaphore_mem>> -> memref<!tpu.dma_semaphore, #tpu.memory_space<semaphore_mem>>
    tpu.wait_indirect_dma semaphore(%dma_wait3A_517 : memref<!tpu.dma_semaphore, #tpu.memory_space<semaphore_mem>>) src(%dma_wait3A_515 : memref<2000x64xf32, #tpu.memory_space<vmem_shared>>) dst(%dma_wait3A_509 : memref<128x64xf32, #tpu.memory_space<vmem>>)
    %dma_start3A_518 = arith.constant 0 : i32
    %dma_start3A_519 = arith.constant 0 : i32
    %dma_start3A_520 = tpu.memref_slice %arg6[%dma_start3A_518, %dma_start3A_519] : memref<512x64xf32, #tpu.memory_space<vmem>> -> memref<128x64xf32, #tpu.memory_space<vmem>>
    %dma_start3A_521 = arith.constant 0 : i32
    %dma_start3A_522 = tpu.memref_slice %arg4[%add3A_504, %dma_start3A_521] : memref<16384x128xf32, #tpu.memory_space<hbm>> -> memref<128x64xf32, #tpu.memory_space<hbm>>
    %dma_start3A_523 = arith.constant 0 : i32
    %dma_start3A_524 = tpu.memref_slice %arg4[%add3A_504, %dma_start3A_523] : memref<16384x128xf32, #tpu.memory_space<hbm>> -> memref<128x64xf32, #tpu.memory_space<hbm>>
    %dma_start3A_525 = arith.constant 0 : i32
    %dma_start3A_526 = arith.constant 0 : i32
    %dma_start3A_527 = tpu.memref_slice %arg6[%dma_start3A_525, %dma_start3A_526] : memref<512x64xf32, #tpu.memory_space<vmem>> -> memref<128x64xf32, #tpu.memory_space<vmem>>
    tpu.enqueue_dma source(%dma_start3A_527 : memref<128x64xf32, #tpu.memory_space<vmem>>) target(%dma_start3A_524 : memref<128x64xf32, #tpu.memory_space<hbm>>) target_semaphore(%arg10 : memref<!tpu.dma_semaphore, #tpu.memory_space<semaphore_mem>>)
    %dma_wait3A_528 = arith.constant 1 : i32
    %dma_wait3A_529 = arith.constant 1 : i32
    %dma_wait3A_530 = arith.constant 0 : i32
    %dma_wait3A_531 = arith.constant 0 : i32
    %dma_wait3A_532 = tpu.memref_slice %arg7[%dma_wait3A_530, %dma_wait3A_531] : memref<512x64xf32, #tpu.memory_space<vmem>> -> memref<128x64xf32, #tpu.memory_space<vmem>>
    %dma_wait3A_533 = arith.constant 0 : i32
    %dma_wait3A_534 = tpu.memref_slice %arg5[%dma_wait3A_528, %dma_wait3A_533] : memref<8x128xi32, #tpu.memory_space<vmem>> -> memref<1x128xi32, #tpu.memory_space<vmem>>
    %dma_wait3A_535 = tpu.memref_squeeze %dma_wait3A_534 : memref<1x128xi32, #tpu.memory_space<vmem>> -> memref<128xi32, #tpu.memory_space<vmem>>
    %dma_wait3A_536 = arith.constant 0 : i32
    %dma_wait3A_537 = arith.constant 0 : i32
    %dma_wait3A_538 = tpu.memref_slice %arg8[%dma_wait3A_536, %dma_wait3A_537] : memref<2000x64xf32, #tpu.memory_space<vmem_shared>> -> memref<2000x64xf32, #tpu.memory_space<vmem_shared>>
    %dma_wait3A_539 = tpu.memref_slice %arg9[%dma_wait3A_529] : memref<8x!tpu.dma_semaphore, #tpu.memory_space<semaphore_mem>> -> memref<1x!tpu.dma_semaphore, #tpu.memory_space<semaphore_mem>>
    %dma_wait3A_540 = tpu.memref_squeeze %dma_wait3A_539 : memref<1x!tpu.dma_semaphore, #tpu.memory_space<semaphore_mem>> -> memref<!tpu.dma_semaphore, #tpu.memory_space<semaphore_mem>>
    tpu.wait_indirect_dma semaphore(%dma_wait3A_540 : memref<!tpu.dma_semaphore, #tpu.memory_space<semaphore_mem>>) src(%dma_wait3A_538 : memref<2000x64xf32, #tpu.memory_space<vmem_shared>>) dst(%dma_wait3A_532 : memref<128x64xf32, #tpu.memory_space<vmem>>)
    %dma_start3A_541 = arith.constant 0 : i32
    %dma_start3A_542 = arith.constant 0 : i32
    %dma_start3A_543 = tpu.memref_slice %arg7[%dma_start3A_541, %dma_start3A_542] : memref<512x64xf32, #tpu.memory_space<vmem>> -> memref<128x64xf32, #tpu.memory_space<vmem>>
    %dma_start3A_544 = arith.constant 64 : i32
    %dma_start3A_545 = tpu.memref_slice %arg4[%add3A_504, %dma_start3A_544] : memref<16384x128xf32, #tpu.memory_space<hbm>> -> memref<128x64xf32, #tpu.memory_space<hbm>>
    %dma_start3A_546 = arith.constant 64 : i32
    %dma_start3A_547 = tpu.memref_slice %arg4[%add3A_504, %dma_start3A_546] : memref<16384x128xf32, #tpu.memory_space<hbm>> -> memref<128x64xf32, #tpu.memory_space<hbm>>
    %dma_start3A_548 = arith.constant 0 : i32
    %dma_start3A_549 = arith.constant 0 : i32
    %dma_start3A_550 = tpu.memref_slice %arg7[%dma_start3A_548, %dma_start3A_549] : memref<512x64xf32, #tpu.memory_space<vmem>> -> memref<128x64xf32, #tpu.memory_space<vmem>>
    tpu.enqueue_dma source(%dma_start3A_550 : memref<128x64xf32, #tpu.memory_space<vmem>>) target(%dma_start3A_547 : memref<128x64xf32, #tpu.memory_space<hbm>>) target_semaphore(%arg10 : memref<!tpu.dma_semaphore, #tpu.memory_space<semaphore_mem>>)
    %add3A_551 = arith.constant 128 : i32
    %add3A_552 = arith.addi %multiple_of3A_12, %add3A_551 : i32
    %dma_wait3A_553 = arith.constant 2 : i32
    %dma_wait3A_554 = arith.constant 2 : i32
    %dma_wait3A_555 = arith.constant 128 : i32
    %dma_wait3A_556 = arith.constant 0 : i32
    %dma_wait3A_557 = tpu.memref_slice %arg6[%dma_wait3A_555, %dma_wait3A_556] : memref<512x64xf32, #tpu.memory_space<vmem>> -> memref<128x64xf32, #tpu.memory_space<vmem>>
    %dma_wait3A_558 = arith.constant 0 : i32
    %dma_wait3A_559 = tpu.memref_slice %arg5[%dma_wait3A_553, %dma_wait3A_558] : memref<8x128xi32, #tpu.memory_space<vmem>> -> memref<1x128xi32, #tpu.memory_space<vmem>>
    %dma_wait3A_560 = tpu.memref_squeeze %dma_wait3A_559 : memref<1x128xi32, #tpu.memory_space<vmem>> -> memref<128xi32, #tpu.memory_space<vmem>>
    %dma_wait3A_561 = arith.constant 0 : i32
    %dma_wait3A_562 = arith.constant 0 : i32
    %dma_wait3A_563 = tpu.memref_slice %arg8[%dma_wait3A_561, %dma_wait3A_562] : memref<2000x64xf32, #tpu.memory_space<vmem_shared>> -> memref<2000x64xf32, #tpu.memory_space<vmem_shared>>
    %dma_wait3A_564 = tpu.memref_slice %arg9[%dma_wait3A_554] : memref<8x!tpu.dma_semaphore, #tpu.memory_space<semaphore_mem>> -> memref<1x!tpu.dma_semaphore, #tpu.memory_space<semaphore_mem>>
    %dma_wait3A_565 = tpu.memref_squeeze %dma_wait3A_564 : memref<1x!tpu.dma_semaphore, #tpu.memory_space<semaphore_mem>> -> memref<!tpu.dma_semaphore, #tpu.memory_space<semaphore_mem>>
    tpu.wait_indirect_dma semaphore(%dma_wait3A_565 : memref<!tpu.dma_semaphore, #tpu.memory_space<semaphore_mem>>) src(%dma_wait3A_563 : memref<2000x64xf32, #tpu.memory_space<vmem_shared>>) dst(%dma_wait3A_557 : memref<128x64xf32, #tpu.memory_space<vmem>>)
    %dma_start3A_566 = arith.constant 128 : i32
    %dma_start3A_567 = arith.constant 0 : i32
    %dma_start3A_568 = tpu.memref_slice %arg6[%dma_start3A_566, %dma_start3A_567] : memref<512x64xf32, #tpu.memory_space<vmem>> -> memref<128x64xf32, #tpu.memory_space<vmem>>
    %dma_start3A_569 = arith.constant 0 : i32
    %dma_start3A_570 = tpu.memref_slice %arg4[%add3A_552, %dma_start3A_569] : memref<16384x128xf32, #tpu.memory_space<hbm>> -> memref<128x64xf32, #tpu.memory_space<hbm>>
    %dma_start3A_571 = arith.constant 0 : i32
    %dma_start3A_572 = tpu.memref_slice %arg4[%add3A_552, %dma_start3A_571] : memref<16384x128xf32, #tpu.memory_space<hbm>> -> memref<128x64xf32, #tpu.memory_space<hbm>>
    %dma_start3A_573 = arith.constant 128 : i32
    %dma_start3A_574 = arith.constant 0 : i32
    %dma_start3A_575 = tpu.memref_slice %arg6[%dma_start3A_573, %dma_start3A_574] : memref<512x64xf32, #tpu.memory_space<vmem>> -> memref<128x64xf32, #tpu.memory_space<vmem>>
    tpu.enqueue_dma source(%dma_start3A_575 : memref<128x64xf32, #tpu.memory_space<vmem>>) target(%dma_start3A_572 : memref<128x64xf32, #tpu.memory_space<hbm>>) target_semaphore(%arg10 : memref<!tpu.dma_semaphore, #tpu.memory_space<semaphore_mem>>)
    %dma_wait3A_576 = arith.constant 3 : i32
    %dma_wait3A_577 = arith.constant 3 : i32
    %dma_wait3A_578 = arith.constant 128 : i32
    %dma_wait3A_579 = arith.constant 0 : i32
    %dma_wait3A_580 = tpu.memref_slice %arg7[%dma_wait3A_578, %dma_wait3A_579] : memref<512x64xf32, #tpu.memory_space<vmem>> -> memref<128x64xf32, #tpu.memory_space<vmem>>
    %dma_wait3A_581 = arith.constant 0 : i32
    %dma_wait3A_582 = tpu.memref_slice %arg5[%dma_wait3A_576, %dma_wait3A_581] : memref<8x128xi32, #tpu.memory_space<vmem>> -> memref<1x128xi32, #tpu.memory_space<vmem>>
    %dma_wait3A_583 = tpu.memref_squeeze %dma_wait3A_582 : memref<1x128xi32, #tpu.memory_space<vmem>> -> memref<128xi32, #tpu.memory_space<vmem>>
    %dma_wait3A_584 = arith.constant 0 : i32
    %dma_wait3A_585 = arith.constant 0 : i32
    %dma_wait3A_586 = tpu.memref_slice %arg8[%dma_wait3A_584, %dma_wait3A_585] : memref<2000x64xf32, #tpu.memory_space<vmem_shared>> -> memref<2000x64xf32, #tpu.memory_space<vmem_shared>>
    %dma_wait3A_587 = tpu.memref_slice %arg9[%dma_wait3A_577] : memref<8x!tpu.dma_semaphore, #tpu.memory_space<semaphore_mem>> -> memref<1x!tpu.dma_semaphore, #tpu.memory_space<semaphore_mem>>
    %dma_wait3A_588 = tpu.memref_squeeze %dma_wait3A_587 : memref<1x!tpu.dma_semaphore, #tpu.memory_space<semaphore_mem>> -> memref<!tpu.dma_semaphore, #tpu.memory_space<semaphore_mem>>
    tpu.wait_indirect_dma semaphore(%dma_wait3A_588 : memref<!tpu.dma_semaphore, #tpu.memory_space<semaphore_mem>>) src(%dma_wait3A_586 : memref<2000x64xf32, #tpu.memory_space<vmem_shared>>) dst(%dma_wait3A_580 : memref<128x64xf32, #tpu.memory_space<vmem>>)
    %dma_start3A_589 = arith.constant 128 : i32
    %dma_start3A_590 = arith.constant 0 : i32
    %dma_start3A_591 = tpu.memref_slice %arg7[%dma_start3A_589, %dma_start3A_590] : memref<512x64xf32, #tpu.memory_space<vmem>> -> memref<128x64xf32, #tpu.memory_space<vmem>>
    %dma_start3A_592 = arith.constant 64 : i32
    %dma_start3A_593 = tpu.memref_slice %arg4[%add3A_552, %dma_start3A_592] : memref<16384x128xf32, #tpu.memory_space<hbm>> -> memref<128x64xf32, #tpu.memory_space<hbm>>
    %dma_start3A_594 = arith.constant 64 : i32
    %dma_start3A_595 = tpu.memref_slice %arg4[%add3A_552, %dma_start3A_594] : memref<16384x128xf32, #tpu.memory_space<hbm>> -> memref<128x64xf32, #tpu.memory_space<hbm>>
    %dma_start3A_596 = arith.constant 128 : i32
    %dma_start3A_597 = arith.constant 0 : i32
    %dma_start3A_598 = tpu.memref_slice %arg7[%dma_start3A_596, %dma_start3A_597] : memref<512x64xf32, #tpu.memory_space<vmem>> -> memref<128x64xf32, #tpu.memory_space<vmem>>
    tpu.enqueue_dma source(%dma_start3A_598 : memref<128x64xf32, #tpu.memory_space<vmem>>) target(%dma_start3A_595 : memref<128x64xf32, #tpu.memory_space<hbm>>) target_semaphore(%arg10 : memref<!tpu.dma_semaphore, #tpu.memory_space<semaphore_mem>>)
    %add3A_599 = arith.constant 256 : i32
    %add3A_600 = arith.addi %multiple_of3A_12, %add3A_599 : i32
    %dma_wait3A_601 = arith.constant 4 : i32
    %dma_wait3A_602 = arith.constant 4 : i32
    %dma_wait3A_603 = arith.constant 256 : i32
    %dma_wait3A_604 = arith.constant 0 : i32
    %dma_wait3A_605 = tpu.memref_slice %arg6[%dma_wait3A_603, %dma_wait3A_604] : memref<512x64xf32, #tpu.memory_space<vmem>> -> memref<128x64xf32, #tpu.memory_space<vmem>>
    %dma_wait3A_606 = arith.constant 0 : i32
    %dma_wait3A_607 = tpu.memref_slice %arg5[%dma_wait3A_601, %dma_wait3A_606] : memref<8x128xi32, #tpu.memory_space<vmem>> -> memref<1x128xi32, #tpu.memory_space<vmem>>
    %dma_wait3A_608 = tpu.memref_squeeze %dma_wait3A_607 : memref<1x128xi32, #tpu.memory_space<vmem>> -> memref<128xi32, #tpu.memory_space<vmem>>
    %dma_wait3A_609 = arith.constant 0 : i32
    %dma_wait3A_610 = arith.constant 0 : i32
    %dma_wait3A_611 = tpu.memref_slice %arg8[%dma_wait3A_609, %dma_wait3A_610] : memref<2000x64xf32, #tpu.memory_space<vmem_shared>> -> memref<2000x64xf32, #tpu.memory_space<vmem_shared>>
    %dma_wait3A_612 = tpu.memref_slice %arg9[%dma_wait3A_602] : memref<8x!tpu.dma_semaphore, #tpu.memory_space<semaphore_mem>> -> memref<1x!tpu.dma_semaphore, #tpu.memory_space<semaphore_mem>>
    %dma_wait3A_613 = tpu.memref_squeeze %dma_wait3A_612 : memref<1x!tpu.dma_semaphore, #tpu.memory_space<semaphore_mem>> -> memref<!tpu.dma_semaphore, #tpu.memory_space<semaphore_mem>>
    tpu.wait_indirect_dma semaphore(%dma_wait3A_613 : memref<!tpu.dma_semaphore, #tpu.memory_space<semaphore_mem>>) src(%dma_wait3A_611 : memref<2000x64xf32, #tpu.memory_space<vmem_shared>>) dst(%dma_wait3A_605 : memref<128x64xf32, #tpu.memory_space<vmem>>)
    %dma_start3A_614 = arith.constant 256 : i32
    %dma_start3A_615 = arith.constant 0 : i32
    %dma_start3A_616 = tpu.memref_slice %arg6[%dma_start3A_614, %dma_start3A_615] : memref<512x64xf32, #tpu.memory_space<vmem>> -> memref<128x64xf32, #tpu.memory_space<vmem>>
    %dma_start3A_617 = arith.constant 0 : i32
    %dma_start3A_618 = tpu.memref_slice %arg4[%add3A_600, %dma_start3A_617] : memref<16384x128xf32, #tpu.memory_space<hbm>> -> memref<128x64xf32, #tpu.memory_space<hbm>>
    %dma_start3A_619 = arith.constant 0 : i32
    %dma_start3A_620 = tpu.memref_slice %arg4[%add3A_600, %dma_start3A_619] : memref<16384x128xf32, #tpu.memory_space<hbm>> -> memref<128x64xf32, #tpu.memory_space<hbm>>
    %dma_start3A_621 = arith.constant 256 : i32
    %dma_start3A_622 = arith.constant 0 : i32
    %dma_start3A_623 = tpu.memref_slice %arg6[%dma_start3A_621, %dma_start3A_622] : memref<512x64xf32, #tpu.memory_space<vmem>> -> memref<128x64xf32, #tpu.memory_space<vmem>>
    tpu.enqueue_dma source(%dma_start3A_623 : memref<128x64xf32, #tpu.memory_space<vmem>>) target(%dma_start3A_620 : memref<128x64xf32, #tpu.memory_space<hbm>>) target_semaphore(%arg10 : memref<!tpu.dma_semaphore, #tpu.memory_space<semaphore_mem>>)
    %dma_wait3A_624 = arith.constant 5 : i32
    %dma_wait3A_625 = arith.constant 5 : i32
    %dma_wait3A_626 = arith.constant 256 : i32
    %dma_wait3A_627 = arith.constant 0 : i32
    %dma_wait3A_628 = tpu.memref_slice %arg7[%dma_wait3A_626, %dma_wait3A_627] : memref<512x64xf32, #tpu.memory_space<vmem>> -> memref<128x64xf32, #tpu.memory_space<vmem>>
    %dma_wait3A_629 = arith.constant 0 : i32
    %dma_wait3A_630 = tpu.memref_slice %arg5[%dma_wait3A_624, %dma_wait3A_629] : memref<8x128xi32, #tpu.memory_space<vmem>> -> memref<1x128xi32, #tpu.memory_space<vmem>>
    %dma_wait3A_631 = tpu.memref_squeeze %dma_wait3A_630 : memref<1x128xi32, #tpu.memory_space<vmem>> -> memref<128xi32, #tpu.memory_space<vmem>>
    %dma_wait3A_632 = arith.constant 0 : i32
    %dma_wait3A_633 = arith.constant 0 : i32
    %dma_wait3A_634 = tpu.memref_slice %arg8[%dma_wait3A_632, %dma_wait3A_633] : memref<2000x64xf32, #tpu.memory_space<vmem_shared>> -> memref<2000x64xf32, #tpu.memory_space<vmem_shared>>
    %dma_wait3A_635 = tpu.memref_slice %arg9[%dma_wait3A_625] : memref<8x!tpu.dma_semaphore, #tpu.memory_space<semaphore_mem>> -> memref<1x!tpu.dma_semaphore, #tpu.memory_space<semaphore_mem>>
    %dma_wait3A_636 = tpu.memref_squeeze %dma_wait3A_635 : memref<1x!tpu.dma_semaphore, #tpu.memory_space<semaphore_mem>> -> memref<!tpu.dma_semaphore, #tpu.memory_space<semaphore_mem>>
    tpu.wait_indirect_dma semaphore(%dma_wait3A_636 : memref<!tpu.dma_semaphore, #tpu.memory_space<semaphore_mem>>) src(%dma_wait3A_634 : memref<2000x64xf32, #tpu.memory_space<vmem_shared>>) dst(%dma_wait3A_628 : memref<128x64xf32, #tpu.memory_space<vmem>>)
    %dma_start3A_637 = arith.constant 256 : i32
    %dma_start3A_638 = arith.constant 0 : i32
    %dma_start3A_639 = tpu.memref_slice %arg7[%dma_start3A_637, %dma_start3A_638] : memref<512x64xf32, #tpu.memory_space<vmem>> -> memref<128x64xf32, #tpu.memory_space<vmem>>
    %dma_start3A_640 = arith.constant 64 : i32
    %dma_start3A_641 = tpu.memref_slice %arg4[%add3A_600, %dma_start3A_640] : memref<16384x128xf32, #tpu.memory_space<hbm>> -> memref<128x64xf32, #tpu.memory_space<hbm>>
    %dma_start3A_642 = arith.constant 64 : i32
    %dma_start3A_643 = tpu.memref_slice %arg4[%add3A_600, %dma_start3A_642] : memref<16384x128xf32, #tpu.memory_space<hbm>> -> memref<128x64xf32, #tpu.memory_space<hbm>>
    %dma_start3A_644 = arith.constant 256 : i32
    %dma_start3A_645 = arith.constant 0 : i32
    %dma_start3A_646 = tpu.memref_slice %arg7[%dma_start3A_644, %dma_start3A_645] : memref<512x64xf32, #tpu.memory_space<vmem>> -> memref<128x64xf32, #tpu.memory_space<vmem>>
    tpu.enqueue_dma source(%dma_start3A_646 : memref<128x64xf32, #tpu.memory_space<vmem>>) target(%dma_start3A_643 : memref<128x64xf32, #tpu.memory_space<hbm>>) target_semaphore(%arg10 : memref<!tpu.dma_semaphore, #tpu.memory_space<semaphore_mem>>)
    %add3A_647 = arith.constant 384 : i32
    %add3A_648 = arith.addi %multiple_of3A_12, %add3A_647 : i32
    %dma_wait3A_649 = arith.constant 6 : i32
    %dma_wait3A_650 = arith.constant 6 : i32
    %dma_wait3A_651 = arith.constant 384 : i32
    %dma_wait3A_652 = arith.constant 0 : i32
    %dma_wait3A_653 = tpu.memref_slice %arg6[%dma_wait3A_651, %dma_wait3A_652] : memref<512x64xf32, #tpu.memory_space<vmem>> -> memref<128x64xf32, #tpu.memory_space<vmem>>
    %dma_wait3A_654 = arith.constant 0 : i32
    %dma_wait3A_655 = tpu.memref_slice %arg5[%dma_wait3A_649, %dma_wait3A_654] : memref<8x128xi32, #tpu.memory_space<vmem>> -> memref<1x128xi32, #tpu.memory_space<vmem>>
    %dma_wait3A_656 = tpu.memref_squeeze %dma_wait3A_655 : memref<1x128xi32, #tpu.memory_space<vmem>> -> memref<128xi32, #tpu.memory_space<vmem>>
    %dma_wait3A_657 = arith.constant 0 : i32
    %dma_wait3A_658 = arith.constant 0 : i32
    %dma_wait3A_659 = tpu.memref_slice %arg8[%dma_wait3A_657, %dma_wait3A_658] : memref<2000x64xf32, #tpu.memory_space<vmem_shared>> -> memref<2000x64xf32, #tpu.memory_space<vmem_shared>>
    %dma_wait3A_660 = tpu.memref_slice %arg9[%dma_wait3A_650] : memref<8x!tpu.dma_semaphore, #tpu.memory_space<semaphore_mem>> -> memref<1x!tpu.dma_semaphore, #tpu.memory_space<semaphore_mem>>
    %dma_wait3A_661 = tpu.memref_squeeze %dma_wait3A_660 : memref<1x!tpu.dma_semaphore, #tpu.memory_space<semaphore_mem>> -> memref<!tpu.dma_semaphore, #tpu.memory_space<semaphore_mem>>
    tpu.wait_indirect_dma semaphore(%dma_wait3A_661 : memref<!tpu.dma_semaphore, #tpu.memory_space<semaphore_mem>>) src(%dma_wait3A_659 : memref<2000x64xf32, #tpu.memory_space<vmem_shared>>) dst(%dma_wait3A_653 : memref<128x64xf32, #tpu.memory_space<vmem>>)
    %dma_start3A_662 = arith.constant 384 : i32
    %dma_start3A_663 = arith.constant 0 : i32
    %dma_start3A_664 = tpu.memref_slice %arg6[%dma_start3A_662, %dma_start3A_663] : memref<512x64xf32, #tpu.memory_space<vmem>> -> memref<128x64xf32, #tpu.memory_space<vmem>>
    %dma_start3A_665 = arith.constant 0 : i32
    %dma_start3A_666 = tpu.memref_slice %arg4[%add3A_648, %dma_start3A_665] : memref<16384x128xf32, #tpu.memory_space<hbm>> -> memref<128x64xf32, #tpu.memory_space<hbm>>
    %dma_start3A_667 = arith.constant 0 : i32
    %dma_start3A_668 = tpu.memref_slice %arg4[%add3A_648, %dma_start3A_667] : memref<16384x128xf32, #tpu.memory_space<hbm>> -> memref<128x64xf32, #tpu.memory_space<hbm>>
    %dma_start3A_669 = arith.constant 384 : i32
    %dma_start3A_670 = arith.constant 0 : i32
    %dma_start3A_671 = tpu.memref_slice %arg6[%dma_start3A_669, %dma_start3A_670] : memref<512x64xf32, #tpu.memory_space<vmem>> -> memref<128x64xf32, #tpu.memory_space<vmem>>
    tpu.enqueue_dma source(%dma_start3A_671 : memref<128x64xf32, #tpu.memory_space<vmem>>) target(%dma_start3A_668 : memref<128x64xf32, #tpu.memory_space<hbm>>) target_semaphore(%arg10 : memref<!tpu.dma_semaphore, #tpu.memory_space<semaphore_mem>>)
    %dma_wait3A_672 = arith.constant 7 : i32
    %dma_wait3A_673 = arith.constant 7 : i32
    %dma_wait3A_674 = arith.constant 384 : i32
    %dma_wait3A_675 = arith.constant 0 : i32
    %dma_wait3A_676 = tpu.memref_slice %arg7[%dma_wait3A_674, %dma_wait3A_675] : memref<512x64xf32, #tpu.memory_space<vmem>> -> memref<128x64xf32, #tpu.memory_space<vmem>>
    %dma_wait3A_677 = arith.constant 0 : i32
    %dma_wait3A_678 = tpu.memref_slice %arg5[%dma_wait3A_672, %dma_wait3A_677] : memref<8x128xi32, #tpu.memory_space<vmem>> -> memref<1x128xi32, #tpu.memory_space<vmem>>
    %dma_wait3A_679 = tpu.memref_squeeze %dma_wait3A_678 : memref<1x128xi32, #tpu.memory_space<vmem>> -> memref<128xi32, #tpu.memory_space<vmem>>
    %dma_wait3A_680 = arith.constant 0 : i32
    %dma_wait3A_681 = arith.constant 0 : i32
    %dma_wait3A_682 = tpu.memref_slice %arg8[%dma_wait3A_680, %dma_wait3A_681] : memref<2000x64xf32, #tpu.memory_space<vmem_shared>> -> memref<2000x64xf32, #tpu.memory_space<vmem_shared>>
    %dma_wait3A_683 = tpu.memref_slice %arg9[%dma_wait3A_673] : memref<8x!tpu.dma_semaphore, #tpu.memory_space<semaphore_mem>> -> memref<1x!tpu.dma_semaphore, #tpu.memory_space<semaphore_mem>>
    %dma_wait3A_684 = tpu.memref_squeeze %dma_wait3A_683 : memref<1x!tpu.dma_semaphore, #tpu.memory_space<semaphore_mem>> -> memref<!tpu.dma_semaphore, #tpu.memory_space<semaphore_mem>>
    tpu.wait_indirect_dma semaphore(%dma_wait3A_684 : memref<!tpu.dma_semaphore, #tpu.memory_space<semaphore_mem>>) src(%dma_wait3A_682 : memref<2000x64xf32, #tpu.memory_space<vmem_shared>>) dst(%dma_wait3A_676 : memref<128x64xf32, #tpu.memory_space<vmem>>)
    %dma_start3A_685 = arith.constant 384 : i32
    %dma_start3A_686 = arith.constant 0 : i32
    %dma_start3A_687 = tpu.memref_slice %arg7[%dma_start3A_685, %dma_start3A_686] : memref<512x64xf32, #tpu.memory_space<vmem>> -> memref<128x64xf32, #tpu.memory_space<vmem>>
    %dma_start3A_688 = arith.constant 64 : i32
    %dma_start3A_689 = tpu.memref_slice %arg4[%add3A_648, %dma_start3A_688] : memref<16384x128xf32, #tpu.memory_space<hbm>> -> memref<128x64xf32, #tpu.memory_space<hbm>>
    %dma_start3A_690 = arith.constant 64 : i32
    %dma_start3A_691 = tpu.memref_slice %arg4[%add3A_648, %dma_start3A_690] : memref<16384x128xf32, #tpu.memory_space<hbm>> -> memref<128x64xf32, #tpu.memory_space<hbm>>
    %dma_start3A_692 = arith.constant 384 : i32
    %dma_start3A_693 = arith.constant 0 : i32
    %dma_start3A_694 = tpu.memref_slice %arg7[%dma_start3A_692, %dma_start3A_693] : memref<512x64xf32, #tpu.memory_space<vmem>> -> memref<128x64xf32, #tpu.memory_space<vmem>>
    tpu.enqueue_dma source(%dma_start3A_694 : memref<128x64xf32, #tpu.memory_space<vmem>>) target(%dma_start3A_691 : memref<128x64xf32, #tpu.memory_space<hbm>>) target_semaphore(%arg10 : memref<!tpu.dma_semaphore, #tpu.memory_space<semaphore_mem>>)
    %dma_wait3A_695 = arith.constant 0 : i32
    %dma_wait3A_696 = arith.constant 0 : i32
    %dma_wait3A_697 = tpu.memref_slice %arg6[%dma_wait3A_695, %dma_wait3A_696] : memref<512x64xf32, #tpu.memory_space<vmem>> -> memref<128x64xf32, #tpu.memory_space<vmem>>
    %dma_wait3A_698 = arith.constant 0 : i32
    %dma_wait3A_699 = tpu.memref_slice %arg4[%add3A_504, %dma_wait3A_698] : memref<16384x128xf32, #tpu.memory_space<hbm>> -> memref<128x64xf32, #tpu.memory_space<hbm>>
    %dma_wait3A_700 = arith.constant 0 : i32
    %dma_wait3A_701 = tpu.memref_slice %arg4[%add3A_504, %dma_wait3A_700] : memref<16384x128xf32, #tpu.memory_space<hbm>> -> memref<128x64xf32, #tpu.memory_space<hbm>>
    %dma_wait3A_702 = arith.constant 0 : i32
    %dma_wait3A_703 = arith.constant 0 : i32
    %dma_wait3A_704 = tpu.memref_slice %arg6[%dma_wait3A_702, %dma_wait3A_703] : memref<512x64xf32, #tpu.memory_space<vmem>> -> memref<128x64xf32, #tpu.memory_space<vmem>>
    tpu.wait_dma2 semaphore(%arg10 : memref<!tpu.dma_semaphore, #tpu.memory_space<semaphore_mem>>) src(%dma_wait3A_704 : memref<128x64xf32, #tpu.memory_space<vmem>>) dst(%dma_wait3A_701 : memref<128x64xf32, #tpu.memory_space<hbm>>)
    %dma_wait3A_705 = arith.constant 0 : i32
    %dma_wait3A_706 = arith.constant 0 : i32
    %dma_wait3A_707 = tpu.memref_slice %arg7[%dma_wait3A_705, %dma_wait3A_706] : memref<512x64xf32, #tpu.memory_space<vmem>> -> memref<128x64xf32, #tpu.memory_space<vmem>>
    %dma_wait3A_708 = arith.constant 64 : i32
    %dma_wait3A_709 = tpu.memref_slice %arg4[%add3A_504, %dma_wait3A_708] : memref<16384x128xf32, #tpu.memory_space<hbm>> -> memref<128x64xf32, #tpu.memory_space<hbm>>
    %dma_wait3A_710 = arith.constant 64 : i32
    %dma_wait3A_711 = tpu.memref_slice %arg4[%add3A_504, %dma_wait3A_710] : memref<16384x128xf32, #tpu.memory_space<hbm>> -> memref<128x64xf32, #tpu.memory_space<hbm>>
    %dma_wait3A_712 = arith.constant 0 : i32
    %dma_wait3A_713 = arith.constant 0 : i32
    %dma_wait3A_714 = tpu.memref_slice %arg7[%dma_wait3A_712, %dma_wait3A_713] : memref<512x64xf32, #tpu.memory_space<vmem>> -> memref<128x64xf32, #tpu.memory_space<vmem>>
    tpu.wait_dma2 semaphore(%arg10 : memref<!tpu.dma_semaphore, #tpu.memory_space<semaphore_mem>>) src(%dma_wait3A_714 : memref<128x64xf32, #tpu.memory_space<vmem>>) dst(%dma_wait3A_711 : memref<128x64xf32, #tpu.memory_space<hbm>>)
    %dma_wait3A_715 = arith.constant 128 : i32
    %dma_wait3A_716 = arith.constant 0 : i32
    %dma_wait3A_717 = tpu.memref_slice %arg6[%dma_wait3A_715, %dma_wait3A_716] : memref<512x64xf32, #tpu.memory_space<vmem>> -> memref<128x64xf32, #tpu.memory_space<vmem>>
    %dma_wait3A_718 = arith.constant 0 : i32
    %dma_wait3A_719 = tpu.memref_slice %arg4[%add3A_552, %dma_wait3A_718] : memref<16384x128xf32, #tpu.memory_space<hbm>> -> memref<128x64xf32, #tpu.memory_space<hbm>>
    %dma_wait3A_720 = arith.constant 0 : i32
    %dma_wait3A_721 = tpu.memref_slice %arg4[%add3A_552, %dma_wait3A_720] : memref<16384x128xf32, #tpu.memory_space<hbm>> -> memref<128x64xf32, #tpu.memory_space<hbm>>
    %dma_wait3A_722 = arith.constant 128 : i32
    %dma_wait3A_723 = arith.constant 0 : i32
    %dma_wait3A_724 = tpu.memref_slice %arg6[%dma_wait3A_722, %dma_wait3A_723] : memref<512x64xf32, #tpu.memory_space<vmem>> -> memref<128x64xf32, #tpu.memory_space<vmem>>
    tpu.wait_dma2 semaphore(%arg10 : memref<!tpu.dma_semaphore, #tpu.memory_space<semaphore_mem>>) src(%dma_wait3A_724 : memref<128x64xf32, #tpu.memory_space<vmem>>) dst(%dma_wait3A_721 : memref<128x64xf32, #tpu.memory_space<hbm>>)
    %dma_wait3A_725 = arith.constant 128 : i32
    %dma_wait3A_726 = arith.constant 0 : i32
    %dma_wait3A_727 = tpu.memref_slice %arg7[%dma_wait3A_725, %dma_wait3A_726] : memref<512x64xf32, #tpu.memory_space<vmem>> -> memref<128x64xf32, #tpu.memory_space<vmem>>
    %dma_wait3A_728 = arith.constant 64 : i32
    %dma_wait3A_729 = tpu.memref_slice %arg4[%add3A_552, %dma_wait3A_728] : memref<16384x128xf32, #tpu.memory_space<hbm>> -> memref<128x64xf32, #tpu.memory_space<hbm>>
    %dma_wait3A_730 = arith.constant 64 : i32
    %dma_wait3A_731 = tpu.memref_slice %arg4[%add3A_552, %dma_wait3A_730] : memref<16384x128xf32, #tpu.memory_space<hbm>> -> memref<128x64xf32, #tpu.memory_space<hbm>>
    %dma_wait3A_732 = arith.constant 128 : i32
    %dma_wait3A_733 = arith.constant 0 : i32
    %dma_wait3A_734 = tpu.memref_slice %arg7[%dma_wait3A_732, %dma_wait3A_733] : memref<512x64xf32, #tpu.memory_space<vmem>> -> memref<128x64xf32, #tpu.memory_space<vmem>>
    tpu.wait_dma2 semaphore(%arg10 : memref<!tpu.dma_semaphore, #tpu.memory_space<semaphore_mem>>) src(%dma_wait3A_734 : memref<128x64xf32, #tpu.memory_space<vmem>>) dst(%dma_wait3A_731 : memref<128x64xf32, #tpu.memory_space<hbm>>)
    %dma_wait3A_735 = arith.constant 256 : i32
    %dma_wait3A_736 = arith.constant 0 : i32
    %dma_wait3A_737 = tpu.memref_slice %arg6[%dma_wait3A_735, %dma_wait3A_736] : memref<512x64xf32, #tpu.memory_space<vmem>> -> memref<128x64xf32, #tpu.memory_space<vmem>>
    %dma_wait3A_738 = arith.constant 0 : i32
    %dma_wait3A_739 = tpu.memref_slice %arg4[%add3A_600, %dma_wait3A_738] : memref<16384x128xf32, #tpu.memory_space<hbm>> -> memref<128x64xf32, #tpu.memory_space<hbm>>
    %dma_wait3A_740 = arith.constant 0 : i32
    %dma_wait3A_741 = tpu.memref_slice %arg4[%add3A_600, %dma_wait3A_740] : memref<16384x128xf32, #tpu.memory_space<hbm>> -> memref<128x64xf32, #tpu.memory_space<hbm>>
    %dma_wait3A_742 = arith.constant 256 : i32
    %dma_wait3A_743 = arith.constant 0 : i32
    %dma_wait3A_744 = tpu.memref_slice %arg6[%dma_wait3A_742, %dma_wait3A_743] : memref<512x64xf32, #tpu.memory_space<vmem>> -> memref<128x64xf32, #tpu.memory_space<vmem>>
    tpu.wait_dma2 semaphore(%arg10 : memref<!tpu.dma_semaphore, #tpu.memory_space<semaphore_mem>>) src(%dma_wait3A_744 : memref<128x64xf32, #tpu.memory_space<vmem>>) dst(%dma_wait3A_741 : memref<128x64xf32, #tpu.memory_space<hbm>>)
    %dma_wait3A_745 = arith.constant 256 : i32
    %dma_wait3A_746 = arith.constant 0 : i32
    %dma_wait3A_747 = tpu.memref_slice %arg7[%dma_wait3A_745, %dma_wait3A_746] : memref<512x64xf32, #tpu.memory_space<vmem>> -> memref<128x64xf32, #tpu.memory_space<vmem>>
    %dma_wait3A_748 = arith.constant 64 : i32
    %dma_wait3A_749 = tpu.memref_slice %arg4[%add3A_600, %dma_wait3A_748] : memref<16384x128xf32, #tpu.memory_space<hbm>> -> memref<128x64xf32, #tpu.memory_space<hbm>>
    %dma_wait3A_750 = arith.constant 64 : i32
    %dma_wait3A_751 = tpu.memref_slice %arg4[%add3A_600, %dma_wait3A_750] : memref<16384x128xf32, #tpu.memory_space<hbm>> -> memref<128x64xf32, #tpu.memory_space<hbm>>
    %dma_wait3A_752 = arith.constant 256 : i32
    %dma_wait3A_753 = arith.constant 0 : i32
    %dma_wait3A_754 = tpu.memref_slice %arg7[%dma_wait3A_752, %dma_wait3A_753] : memref<512x64xf32, #tpu.memory_space<vmem>> -> memref<128x64xf32, #tpu.memory_space<vmem>>
    tpu.wait_dma2 semaphore(%arg10 : memref<!tpu.dma_semaphore, #tpu.memory_space<semaphore_mem>>) src(%dma_wait3A_754 : memref<128x64xf32, #tpu.memory_space<vmem>>) dst(%dma_wait3A_751 : memref<128x64xf32, #tpu.memory_space<hbm>>)
    %dma_wait3A_755 = arith.constant 384 : i32
    %dma_wait3A_756 = arith.constant 0 : i32
    %dma_wait3A_757 = tpu.memref_slice %arg6[%dma_wait3A_755, %dma_wait3A_756] : memref<512x64xf32, #tpu.memory_space<vmem>> -> memref<128x64xf32, #tpu.memory_space<vmem>>
    %dma_wait3A_758 = arith.constant 0 : i32
    %dma_wait3A_759 = tpu.memref_slice %arg4[%add3A_648, %dma_wait3A_758] : memref<16384x128xf32, #tpu.memory_space<hbm>> -> memref<128x64xf32, #tpu.memory_space<hbm>>
    %dma_wait3A_760 = arith.constant 0 : i32
    %dma_wait3A_761 = tpu.memref_slice %arg4[%add3A_648, %dma_wait3A_760] : memref<16384x128xf32, #tpu.memory_space<hbm>> -> memref<128x64xf32, #tpu.memory_space<hbm>>
    %dma_wait3A_762 = arith.constant 384 : i32
    %dma_wait3A_763 = arith.constant 0 : i32
    %dma_wait3A_764 = tpu.memref_slice %arg6[%dma_wait3A_762, %dma_wait3A_763] : memref<512x64xf32, #tpu.memory_space<vmem>> -> memref<128x64xf32, #tpu.memory_space<vmem>>
    tpu.wait_dma2 semaphore(%arg10 : memref<!tpu.dma_semaphore, #tpu.memory_space<semaphore_mem>>) src(%dma_wait3A_764 : memref<128x64xf32, #tpu.memory_space<vmem>>) dst(%dma_wait3A_761 : memref<128x64xf32, #tpu.memory_space<hbm>>)
    %dma_wait3A_765 = arith.constant 384 : i32
    %dma_wait3A_766 = arith.constant 0 : i32
    %dma_wait3A_767 = tpu.memref_slice %arg7[%dma_wait3A_765, %dma_wait3A_766] : memref<512x64xf32, #tpu.memory_space<vmem>> -> memref<128x64xf32, #tpu.memory_space<vmem>>
    %dma_wait3A_768 = arith.constant 64 : i32
    %dma_wait3A_769 = tpu.memref_slice %arg4[%add3A_648, %dma_wait3A_768] : memref<16384x128xf32, #tpu.memory_space<hbm>> -> memref<128x64xf32, #tpu.memory_space<hbm>>
    %dma_wait3A_770 = arith.constant 64 : i32
    %dma_wait3A_771 = tpu.memref_slice %arg4[%add3A_648, %dma_wait3A_770] : memref<16384x128xf32, #tpu.memory_space<hbm>> -> memref<128x64xf32, #tpu.memory_space<hbm>>
    %dma_wait3A_772 = arith.constant 384 : i32
    %dma_wait3A_773 = arith.constant 0 : i32
    %dma_wait3A_774 = tpu.memref_slice %arg7[%dma_wait3A_772, %dma_wait3A_773] : memref<512x64xf32, #tpu.memory_space<vmem>> -> memref<128x64xf32, #tpu.memory_space<vmem>>
    tpu.wait_dma2 semaphore(%arg10 : memref<!tpu.dma_semaphore, #tpu.memory_space<semaphore_mem>>) src(%dma_wait3A_774 : memref<128x64xf32, #tpu.memory_space<vmem>>) dst(%dma_wait3A_771 : memref<128x64xf32, #tpu.memory_space<hbm>>)
    return
  }
}

</mosaic_0001>

<sc_bundles>
// kernel: _gather.3.cloned.1.call-start
scs
__scs_entry_jumppad:
0x0: {  	(pc) =	sbr.rel $0x88, $3  }
0x1: {  	(tag) =	ssettag $0x0;
	lr =	simm.s32 $0x1  }
0x2: {  	[smem:$0x3F9F] =	sst lr;
	_ =	strace $0xD0000000  }
0x3: {  	_ = 	snop  }
0x4: {  	_ = 	snop  }
0x5: {  	_ = 	snop  }
0x6: {  	_ = 	snop  }
0x7: {  	_ = 	snop  }
__scs_overlays_trampoline_lowered:
0x8: {  	[smem:$0x3FAE] =	sst s0  }
0x9: {  	[smem:$0x3FAF] =	sst s1  }
0xa: {  	[smem:$0x3FB0] =	sst s2  }
0xb: {  	[smem:$0x3FB1] =	sst s3  }
0xc: {  	[smem:$0x3FB2] =	sst s4  }
0xd: {  	[smem:$0x3FB3] =	sst s5  }
0xe: {  	[smem:$0x3FB4] =	sst s6  }
0xf: {  	[smem:$0x3FB5] =	sst s7  }
0x10: {  	[smem:$0x3FB6] =	sst s8  }
0x11: {  	[smem:$0x3FB7] =	sst s9;
	s0 =	simm.s32 @!p0 $0x0  }
0x12: {  	s1 =	sld [smem:$0x3F9D];
	s0 =	simm.s32 @p0 $0x1  }
0x13: {  	[smem:$0x3FB8] =	sst s0;
	s0 =	simm.s32 @!p1 $0x0  }
0x14: {  	s2 =	sld [smem:$0x3F9C];
	s0 =	simm.s32 @p1 $0x1  }
0x15: {  	[smem:$0x3FB9] =	sst s0;
	s0 =	simm.s32 @!p2 $0x0  }
0x16: {  	s3 =	sld [smem:$0x3FDB];
	s0 =	simm.s32 @p2 $0x1  }
0x17: {  	s4 =	simm.s32 $0x1BF5;
	[smem:$0x3FBB] =	sst s0  }
0x18: {  	s0 =	sld [smem:$0x3F9E];
	_ =	swait.ge [sflag:s4], $0x0  }
0x19: {  	s7 =	sld [smem:$0x3F9F]  }
0x1a: {  	s8 =	sadd.s32 $0xFFFFE003, lr  }
0x1b: {  	s9 =	sadd.s32 $0xFFFFFEF7, lr;
	s5 =	simm.s32 $0xFFFFFFFF;
	p2 =	slt.u32 s8, $0xFFFFF086  }
0x1c: {  	p1 =	slt.u32 s9, $0xF7A;
	s5 =	simm.s32 @!p2 $0x0  }
0x1d: {  	s5 =	simm.s32 @p1 $0x1;
	p0 =	seq.s32 s7, s2  }
0x1e: {  	s7 =	smul.u32 @!p0 $0xF7A, s2;
	p2 =	seq.s32 @!p0 s5, $0x0  }
0x1f: {  	s9 =	smul.u32 $0xF7A, s1;
	s8 =	simm.s32 @!p0 $0x1BF5;
	p2 =	por !p2, p0  }
0x20: {  	[sflag:s8] =	ssyncset.s32 @!p0 $0xFFFFF086;
	s6 =	sadd.s32 @!p0 s3, s7;
	s7 =	simm.s32 @!p0 $0x108  }
0x21: {  	s3 =	sadd.s32 s3, s9;
	s6 =	sadd.s32 @!p0 $0x88, s6;
	s7 =	simm.s32 @p2 $0x1082  }
0x22: {  	[simem:s7], [sflag:s8] =	dma.local @!p0 [hbm:s6], $0xF7A  }
0x23: {  	s9 =	sor.u32 $0xD0000000, s2;
	s6 =	simm.s32 $0x108;
	_ =	swait.ge @!p0 [sflag:s8], $0x0  }
0x24: {  	s3 =	sadd.s32 $0x88, s3;
	s6 =	simm.s32 @!p1 $0x1082;
	[sflag:s4] =	ssyncset.s32 $0xFFFFF086  }
0x25: {  	[simem:s6], [sflag:s4] =	dma.local [hbm:s3], $0xF7A  }
0x26: {  	[smem:$0x3F9F] =	sst s1;
	(tag) =	ssettag s2;
	_ =	strace s9  }
0x27: {  	s1 =	sld [smem:$0x3FAF]  }
0x28: {  	s2 =	sld [smem:$0x3FB0]  }
0x29: {  	s4 =	sld [smem:$0x3FB2]  }
0x2a: {  	p0 =	seq.s32 s5, $0x0;
	s5 =	sld [smem:$0x3FB3]  }
0x2b: {  	s6 =	sld [smem:$0x3FB4]  }
0x2c: {  	s7 =	sld [smem:$0x3FB5]  }
0x2d: {  	s3 =	simm.s32 $0x108;
	s8 =	sld [smem:$0x3FB6]  }
0x2e: {  	s3 =	simm.s32 @!p0 $0x1082;
	s9 =	sld [smem:$0x3FB7]  }
0x2f: {  	lr =	sadd.s32 s0, s3;
	s0 =	sld [smem:$0x3FAE]  }
0x30: {  	s3 =	sld [smem:$0x3FB1]  }
0x31: {  	[smem:$0x3FBA] =	sst s10  }
0x32: {  	s10 =	sld [smem:$0x3FB8];
	_ =	sdelay $0x3  }
0x33: {  	p0 =	seq.s32 s10, $0x1;
	s10 =	sld [smem:$0x3FBA];
	_ =	sdelay $0x3  }
0x34: {  	[smem:$0x3FBA] =	sst s10  }
0x35: {  	s10 =	sld [smem:$0x3FB9];
	_ =	sdelay $0x3  }
0x36: {  	p1 =	seq.s32 s10, $0x1;
	s10 =	sld [smem:$0x3FBA];
	_ =	sdelay $0x3  }
0x37: {  	[smem:$0x3FBA] =	sst s10  }
0x38: {  	s10 =	sld [smem:$0x3FBB]  }
0x39: {  	_ = 	snop;
	(pc) =	sbr.ind lr, $3  }
0x3a: {  	_ = 	snop  }
0x3b: {  	_ = 	snop  }
0x3c: {  	p2 =	seq.s32 s10, $0x1;
	s10 =	sld [smem:$0x3FBA]  }
0x3d: {  	_ =	shalt  }
0x3e: {  	_ =	shalt  }
0x3f: {  	_ =	shalt  }
0x40: {  	_ =	shalt  }
0x41: {  	_ =	shalt  }
0x42: {  	_ =	shalt  }
0x43: {  	_ =	shalt  }
0x44: {  	_ =	shalt  }
0x45: {  	_ =	shalt  }
0x46: {  	_ =	shalt  }
0x47: {  	_ =	shalt  }
0x48: {  	_ =	shalt  }
0x49: {  	_ =	shalt  }
0x4a: {  	_ =	shalt  }
0x4b: {  	_ =	shalt  }
0x4c: {  	_ =	shalt  }
0x4d: {  	_ =	shalt  }
0x4e: {  	_ =	shalt  }
0x4f: {  	_ =	shalt  }
0x50: {  	_ =	shalt  }
0x51: {  	_ =	shalt  }
0x52: {  	_ =	shalt  }
0x53: {  	_ =	shalt  }
0x54: {  	_ =	shalt  }
0x55: {  	_ =	shalt  }
0x56: {  	_ =	shalt  }
0x57: {  	_ =	shalt  }
0x58: {  	_ =	shalt  }
0x59: {  	_ =	shalt  }
0x5a: {  	_ =	shalt  }
0x5b: {  	_ =	shalt  }
0x5c: {  	_ =	shalt  }
0x5d: {  	_ =	shalt  }
0x5e: {  	_ =	shalt  }
0x5f: {  	_ =	shalt  }
0x60: {  	_ =	shalt  }
0x61: {  	_ =	shalt  }
0x62: {  	_ =	shalt  }
0x63: {  	_ =	shalt  }
0x64: {  	_ =	shalt  }
0x65: {  	_ =	shalt  }
0x66: {  	_ =	shalt  }
0x67: {  	_ =	shalt  }
0x68: {  	_ =	shalt  }
0x69: {  	_ =	shalt  }
0x6a: {  	_ =	shalt  }
0x6b: {  	_ =	shalt  }
0x6c: {  	_ =	shalt  }
0x6d: {  	_ =	shalt  }
0x6e: {  	_ =	shalt  }
0x6f: {  	_ =	shalt  }
0x70: {  	_ =	shalt  }
0x71: {  	_ =	shalt  }
0x72: {  	_ =	shalt  }
0x73: {  	_ =	shalt  }
0x74: {  	_ =	shalt  }
0x75: {  	_ =	shalt  }
0x76: {  	_ =	shalt  }
0x77: {  	_ =	shalt  }
0x78: {  	_ =	shalt  }
0x79: {  	_ =	shalt  }
0x7a: {  	_ =	shalt  }
0x7b: {  	_ =	shalt  }
0x7c: {  	_ =	shalt  }
0x7d: {  	_ =	shalt  }
0x7e: {  	_ =	shalt  }
0x7f: {  	_ =	shalt  }
0x80: {  	_ =	shalt  }
0x81: {  	_ =	shalt  }
0x82: {  	_ =	shalt  }
0x83: {  	_ =	shalt  }
0x84: {  	_ =	shalt  }
0x85: {  	_ =	shalt  }
0x86: {  	_ =	shalt  }
0x87: {  	_ =	shalt  }
.Lfunc_end0:
.L_simem_size_0:
called_computation_lowered:
.L_overlay_start_0:
0x88: {  	s2 =	sld [smem:$0x3FD9]  }
0x89: {  	s3 =	sld [smem:$0x3FFE];
	_ =	sdelay $0x1  }
0x8a: {  	s1 =	srdreg.scid  }
0x8b: {  	s0 =	sand.u32 $0x1, s1  }
0x8c: {  	s17 =	sshll.u32 s0, $0xA;
	s2 =	sadd.s32 s3, s2  }
0x8d: {  	s2 =	sadd.s32 s2, s17  }
0x8e: {  	[smem:$0x3FC6] =	sst s2  }
0x8f: {  	_ = 	snop  }
0x90: {  	s2 =	sld [smem:$0x3FC8]  }
0x91: {  	s18 =	sld [smem:$0x3FD0];
	(tm) =	ssettm $0x1  }
0x92: {  	s4 =	sld [smem:$0x3FFB];
	_ =	sdelay $0x3  }
0x93: {  	_ =	strace s4  }
0x94: {  	s4 =	sld [smem:$0x3FFC];
	_ =	sdelay $0x3  }
0x95: {  	_ =	strace s4  }
0x96: {  	s4 =	sld [smem:$0x3FFD];
	_ =	sdelay $0x3  }
0x97: {  	_ =	strace s4  }
0x98: {  	_ =	strace $0x8FFFFFFF  }
0x99: {  	s19 =	sld [smem:$0x3FDB];
	_ =	sdelay $0x1  }
0x9a: {  	s5 =	simm.s32 $_scs_section_size  }
0x9b: {  	s6 =	simm.s32 $_size__tile_overlayer_lowered;
	s7 =	simm.s32 $_tile_overlayer_lowered  }
0x9c: {  	s22 =	simm.s32 $0x1BFF;
	s21 =	sshll.u32 s7, $0x1;
	s4 =	sadd.s32 s5, s19  }
0x9d: {  	s8 =	simm.s32 $0x0;
	s20 =	sshll.u32 s6, $0x1;
	s6 =	sadd.s32 s21, s4  }
0x9e: {  	[timem:s8], [sflag:s22] =	dma.local [hbm:s6], s20  }
0x9f: {  	_ =	swait.ge [sflag:s22], s20  }
0xa0: {  	s5 =	ssub.s32 $0x0, s20;
	[sflag:s22] =	ssyncset.done $0x0  }
0xa1: {  	[sflag:s22] =	ssyncadd.s32 s5;
	_ =	sdelay $0x1  }
0xa2: {  	s23 =	simm.s32 $0x1B8B  }
0xa3: {  	_ =	swait.ge [sflag:s23], $0x1  }
0xa4: {  	[sflag:s23] =	ssyncset.done $0x0  }
0xa5: {  	s25 =	simm.s32 $0x1B8E;
	s24 =	sld [smem:$0x3FFE];
	[sflag:s23] =	ssyncadd.s32 $0xFFFFFFFF  }
0xa6: {  	s26 =	simm.s32 $execute0_lowered;
	[smem:$0x3FD2] =	sst s25  }
0xa7: {  	s6 =	sshll.u32 s26, $0x1;
	_ =	strace $0x80000046;
	[dreg:$0x1] =	wrdreg $0xFFFFFFFF  }
0xa8: {  	s28 =	simm.s32 $_size_execute0_lowered;
	s4 =	sadd.s32 s4, s6;
	[dreg:$0x0] =	wrdreg $0x0  }
0xa9: {  	s6 =	sshll.u32 s28, $0x1;
	[dreg:$0x2] =	wrdreg s4  }
0xaa: {  	[dreg:$0x3] =	wrdreg s6  }
0xab: {  	[dreg:$0x4] =	wrdreg $0xC0  }
0xac: {  	_ =	task [dreg:s8], $0x5FFFF  }
0xad: {  	[dreg:$0x1] =	wrdreg $0xFFFFFFFF  }
0xae: {  	[dreg:$0x0] =	wrdreg $0x60  }
0xaf: {  	[dreg:$0x2] =	wrdreg s24  }
0xb0: {  	[dreg:$0x3] =	wrdreg s2  }
0xb1: {  	[dreg:$0x4] =	wrdreg s18  }
0xb2: {  	[dreg:$0x5] =	wrdreg $0x104000  }
0xb3: {  	[dreg:$0x6] =	wrdreg $0x9  }
0xb4: {  	_ =	task.clear_ibuf [dreg:s8], $0x7FFFF;
	_ =	strace $0x90000046  }
0xb5: {  	s29 =	simm.s32 $0x9;
	_ =	strace $0x80000048  }
0xb6: {  	_ =	swait.ge [sflag:s29], $0x1  }
0xb7: {  	[sflag:s29] =	ssyncadd.s32 $0xFFFFFFFF  }
0xb8: {  	_ =	strace $0x90000048  }
0xb9: {  	_ =	sfence  }
0xba: {  	s30 =	sld [smem:$0x0];
	_ =	sdelay $0x2  }
0xbb: {  	s31 =	sshll.u32 s1, $0xD;
	s1 =	sshrl.u32 s1, $0x2  }
0xbc: {  	s3 =	sand.u32 $0x4000, s31;
	s1 =	sadd.s32 s1, s30  }
0xbd: {  	s0 =	sor.u32 s3, s0;
	s1 =	sshll.u32 s1, $0x11  }
0xbe: {  	s0 =	sor.u32 s1, s0  }
0xbf: {  	s0 =	sadd.s32 $0x8F2B, s0  }
0xc0: {  	[sflag:s0] =	ssyncadd.remote.s32 $0x1  }
0xc1: {  	_ =	sfence.sel $0xFFFF  }
0xc2: {  	[dreg:$0x0] =	wrdreg $0xFFFFFFFF;
	(pc) =	sbr.abs _section_cstart, $3  }
0xc3: {  	[dreg:$0x1] =	wrdreg $0xFFFFFFFF  }
0xc4: {  	_ =	task.clear_ibuf [dreg:s8], $0x2FFFF;
	_ =	strace $0x9FFFFFFF  }
0xc5: {  	(tm) =	ssettm $0x7FFFFFFF  }
tec
execute0_lowered:
.L_overlay_start_1:
0x0: {  	(tag) =	ssettag $0x1  }
0x1: {  	s0 =	rddreg [dreg:$0x0]  }
0x2: {  	s4 =	rddreg [dreg:$0x1];
	s8 =	stileid.u32  }
0x3: {  	s5 =	rddreg [dreg:$0x2];
	s6 =	smul.u32 $0x1F40, s8  }
0x4: {  	s2 =	rddreg [dreg:$0x3];
	s3 =	simm.s32 $0x0;
	s7 =	srdreg.scid  }
0x5: {  	[smem:$0x7FF] =	sst s3;
	s1 =	sshrl.u32 s6, $0x3;
	s15 =	sadd.s32 s6, s2  }
0x6: {  	_ =	strace $0x80000047;
	s0 =	sadd.s32 s1, s0;
	s17 =	sshrl.u32 s15, $0x3  }
0x7: {  	s1 =	sand.u32 $0x1, s7;
	s0 =	sadd.s32 $0x400, s0;
	[dreg:$0xf] =	wrdreg s17  }
0x8: {  	s7 =	sshll.u32 s8, $0x1;
	s8 =	sshll.u32 s8, $0x6;
	[dreg:$0x5] =	wrdreg s0  }
0x9: {  	s7 =	sor.u32 s1, s7;
	s0 =	sor.u32 $0x1C09, s8;
	s19 =	rddreg [dreg:$0xf]  }
0xa: {  	s9 =	sshll.u32 s7, $0x7;
	[dreg:$0x6] =	wrdreg s0  }
0xb: {  	s7 =	sshll.u32 s7, $0xD;
	s10 =	sadd.s32 s4, s9;
	s18 =	rddreg [dreg:$0x5]  }
0xc: {  	s5 =	sadd.s32 s5, s7;
	[dreg:$0x7] =	wrdreg s10  }
0xd: {  	s11 =	sadd.s32 $0x8, s5;
	s21 =	rddreg [dreg:$0x6]  }
0xe: {  	s12 =	sadd.s32 $0x800, s5;
	[dreg:$0x8] =	wrdreg s11  }
0xf: {  	s13 =	sadd.s32 $0x808, s5;
	[dreg:$0x9] =	wrdreg s12  }
0x10: {  	s14 =	sadd.s32 $0x1000, s5;
	[dreg:$0xa] =	wrdreg s13  }
0x11: {  	s16 =	sadd.s32 $0x1008, s5;
	[dreg:$0xb] =	wrdreg s14  }
0x12: {  	s20 =	sadd.s32 $0x1800, s5;
	[dreg:$0xc] =	wrdreg s16  }
0x13: {  	s22 =	sadd.s32 $0x1808, s5;
	[dreg:$0xd] =	wrdreg s20  }
0x14: {  	[dreg:$0xe] =	wrdreg s22  }
0x15: {  	[spmem:s19], [sflag:s21] =	dma.local [hbm:s18], $0x3E8  }
0x16: {  	s6 =	simm.s32 $0xA;
	s0 =	rddreg [dreg:$0x7]  }
0x17: {  	[tilespmem:s3], [sflag:$0xA] =	stream.linear.gather [hbm4b:s0+s3], $0x400, $0x38;
	[tilespmem:$0x12340] =	vst v63  }
0x18: {  	_ =	swait.ge [sflag:s6], $0x400  }
0x19: {  	[sflag:s6] =	ssyncset.done $0x0  }
0x1a: {  	s4 =	simm.s32 $0x9;
	[sflag:s6] =	ssyncadd.s32 $0xFFFFFC00  }
0x1b: {  	_ =	swait.ge [sflag:s4], $0x3E8  }
0x1c: {  	[sflag:s4] =	ssyncset.done $0x0  }
0x1d: {  	[sflag:s4] =	ssyncadd.s32 $0xFFFFFC18  }
0x1e: {  	[bflag:$0x0] =	sbarrier.arrive $0xFFFF  }
0x1f: {  	v0 =	vld [tilespmem:$0x3F0]  }
0x20: {  	v1 =	vld [tilespmem:$0x3C0]  }
0x21: {  	v2 =	vld [tilespmem:$0x3E0]  }
0x22: {  	v3 =	vld [tilespmem:$0x3D0]  }
0x23: {  	v4 =	vld [tilespmem:$0x2C0]  }
0x24: {  	v5 =	vld [tilespmem:$0x3B0];
	v0 =	vadd.s32 $0x3E8, v0  }
0x25: {  	v6 =	vld [tilespmem:$0x3A0];
	v1 =	vadd.s32 $0x3E8, v1;
	[tilespmem:$0x3F0] =	vst v0  }
0x26: {  	v33 =	vld [tilespmem:$0x2F0];
	v32 =	vadd.s32 $0x3E8, v2;
	[tilespmem:$0x3C0] =	vst v1  }
0x27: {  	v35 =	vld [tilespmem:$0x2E0];
	v3 =	vadd.s32 $0x3E8, v3;
	[tilespmem:$0x3E0] =	vst v32  }
0x28: {  	v38 =	vld [tilespmem:$0x1C0];
	v34 =	vadd.s32 $0x3E8, v4;
	[tilespmem:$0x3D0] =	vst v3  }
0x29: {  	v44 =	vld [tilespmem:$0x1E0];
	v37 =	vadd.s32 $0x3E8, v5;
	[tilespmem:$0x2C0] =	vst v34  }
0x2a: {  	v56 =	vld [tilespmem:$0xA0];
	v6 =	vadd.s32 $0x3E8, v6;
	[tilespmem:$0x3B0] =	vst v37  }
0x2b: {  	v57 =	vld [tilespmem:$0x90];
	v2 =	vadd.s32 $0x3E8, v33;
	[tilespmem:$0x3A0] =	vst v6  }
0x2c: {  	v58 =	vld [tilespmem:$0x280];
	v4 =	vadd.s32 $0x3E8, v35;
	[tilespmem:$0x2F0] =	vst v2  }
0x2d: {  	v59 =	vld [tilespmem:$0x80];
	v43 =	vadd.s32 $0x3E8, v38;
	[tilespmem:$0x2E0] =	vst v4  }
0x2e: {  	v31 =	vld [tilespmem:$0x390];
	v5 =	vadd.s32 $0x3E8, v44;
	[tilespmem:$0x1C0] =	vst v43  }
0x2f: {  	v36 =	vld [tilespmem:$0x2D0];
	v60 =	vadd.s32 $0x3E8, v56;
	[tilespmem:$0x1E0] =	vst v5  }
0x30: {  	v39 =	vld [tilespmem:$0x2B0];
	v61 =	vadd.s32 $0x3E8, v57;
	[tilespmem:$0xA0] =	vst v60  }
0x31: {  	v40 =	vld [tilespmem:$0x2A0];
	v62 =	vadd.s32 $0x3E8, v58;
	[tilespmem:$0x90] =	vst v61  }
0x32: {  	v42 =	vld [tilespmem:$0x1F0];
	v63 =	vadd.s32 $0x3E8, v59;
	[tilespmem:$0x280] =	vst v62  }
0x33: {  	v46 =	vld [tilespmem:$0xB0];
	v0 =	vadd.s32 $0x3E8, v31;
	[tilespmem:$0x80] =	vst v63  }
0x34: {  	v51 =	vld [tilespmem:$0xF0];
	v1 =	vadd.s32 $0x3E8, v36;
	[tilespmem:$0x390] =	vst v0  }
0x35: {  	v41 =	vld [tilespmem:$0x290];
	v3 =	vadd.s32 $0x3E8, v39;
	[tilespmem:$0x2D0] =	vst v1  }
0x36: {  	v45 =	vld [tilespmem:$0x1D0];
	v6 =	vadd.s32 $0x3E8, v40;
	[tilespmem:$0x2B0] =	vst v3  }
0x37: {  	v47 =	vld [tilespmem:$0x1B0];
	v2 =	vadd.s32 $0x3E8, v42;
	[tilespmem:$0x2A0] =	vst v6  }
0x38: {  	v48 =	vld [tilespmem:$0x1A0];
	v4 =	vadd.s32 $0x3E8, v46;
	[tilespmem:$0x1F0] =	vst v2  }
0x39: {  	v50 =	vld [tilespmem:$0x180];
	v5 =	vadd.s32 $0x3E8, v51;
	[tilespmem:$0xB0] =	vst v4  }
0x3a: {  	v53 =	vld [tilespmem:$0xD0];
	v0 =	vadd.s32 $0x3E8, v41;
	[tilespmem:$0xF0] =	vst v5  }
0x3b: {  	v49 =	vld [tilespmem:$0x190];
	v1 =	vadd.s32 $0x3E8, v45;
	[tilespmem:$0x290] =	vst v0  }
0x3c: {  	v52 =	vld [tilespmem:$0xE0];
	v3 =	vadd.s32 $0x3E8, v47;
	[tilespmem:$0x1D0] =	vst v1  }
0x3d: {  	v54 =	vld [tilespmem:$0xC0];
	v6 =	vadd.s32 $0x3E8, v48;
	[tilespmem:$0x1B0] =	vst v3  }
0x3e: {  	v55 =	vld [tilespmem:$0x380];
	v2 =	vadd.s32 $0x3E8, v50;
	[tilespmem:$0x1A0] =	vst v6  }
0x3f: {  	v4 =	vadd.s32 $0x3E8, v53;
	[tilespmem:$0x180] =	vst v2  }
0x40: {  	v0 =	vadd.s32 $0x3E8, v49;
	[tilespmem:$0xD0] =	vst v4  }
0x41: {  	v1 =	vadd.s32 $0x3E8, v52;
	[tilespmem:$0x190] =	vst v0  }
0x42: {  	v3 =	vadd.s32 $0x3E8, v54;
	[tilespmem:$0xE0] =	vst v1  }
0x43: {  	[tilespmem:$0xC0] =	vst v3;
	v0 =	vadd.s32 $0x3E8, v55  }
0x44: {  	s8 =	simm.s32 $0x400;
	s7 =	simm.s32 $0x80;
	[tilespmem:$0x380] =	vst v0  }
0x45: {  	[tilespmem:s8], [sflag:$0x1] =	stream.indirect.gather [spmem:s2], $0x40, s3, s7, $0xb8;
	[tilespmem:$0x12340] =	vst v63  }
0x46: {  	s9 =	simm.s32 $0x8400  }
0x47: {  	[tilespmem:s9], [sflag:$0x2] =	stream.indirect.gather [spmem:s2], $0x40, s7, s7, $0xb8;
	[tilespmem:$0x12340] =	vst v63  }
0x48: {  	s23 =	simm.s32 $0x100;
	s11 =	simm.s32 $0x2400  }
0x49: {  	[tilespmem:s11], [sflag:$0x3] =	stream.indirect.gather [spmem:s2], $0x40, s23, s7, $0xb8;
	[tilespmem:$0x12340] =	vst v63  }
0x4a: {  	s24 =	simm.s32 $0x180;
	s13 =	simm.s32 $0xA400  }
0x4b: {  	[tilespmem:s13], [sflag:$0x4] =	stream.indirect.gather [spmem:s2], $0x40, s24, s7, $0xb8;
	[tilespmem:$0x12340] =	vst v63  }
0x4c: {  	s15 =	simm.s32 $0x4400;
	s14 =	simm.s32 $0x200  }
0x4d: {  	[tilespmem:s15], [sflag:$0x5] =	stream.indirect.gather [spmem:s2], $0x40, s14, s7, $0xb8;
	[tilespmem:$0x12340] =	vst v63  }
0x4e: {  	s17 =	simm.s32 $0x280;
	s18 =	simm.s32 $0xC400  }
0x4f: {  	[tilespmem:s18], [sflag:$0x6] =	stream.indirect.gather [spmem:s2], $0x40, s17, s7, $0xb8;
	[tilespmem:$0x12340] =	vst v63  }
0x50: {  	s20 =	simm.s32 $0x300;
	s19 =	simm.s32 $0x6400  }
0x51: {  	[tilespmem:s19], [sflag:$0x7] =	stream.indirect.gather [spmem:s2], $0x40, s20, s7, $0xb8;
	[tilespmem:$0x12340] =	vst v63  }
0x52: {  	s22 =	simm.s32 $0x380;
	s16 =	simm.s32 $0xE400;
	s23 =	simm.s32 $0x1  }
0x53: {  	[tilespmem:s16], [sflag:$0x8] =	stream.indirect.gather [spmem:s2], $0x40, s22, s7, $0xb8;
	[tilespmem:$0x12340] =	vst v63  }
0x54: {  	_ =	swait.ge [sflag:s23], $0x2000  }
0x55: {  	[sflag:s23] =	ssyncset.done $0x0  }
0x56: {  	s21 =	simm.s32 $0x40;
	s24 =	simm.s32 $0x2;
	[sflag:s23] =	ssyncadd.s32 $0xFFFFE000  }
0x57: {  	[hbm4b:s5+s21] =	stream.strided.scatter [tilespmem:s8], [sflag:$0x9], $0x2000, s7, s21, $0x38;
	[tilespmem:$0x12340] =	vst v63  }
0x58: {  	_ =	swait.ge [sflag:s24], $0x2000  }
0x59: {  	[sflag:s24] =	ssyncset.done $0x0  }
0x5a: {  	s25 =	rddreg [dreg:$0x8];
	[sflag:s24] =	ssyncadd.s32 $0xFFFFE000  }
0x5b: {  	[hbm4b:s25+s21] =	stream.strided.scatter [tilespmem:s9], [sflag:$0x9], $0x2000, s7, s21, $0x38;
	[tilespmem:$0x12340] =	vst v63  }
0x5c: {  	s25 =	simm.s32 $0x3  }
0x5d: {  	_ =	swait.ge [sflag:s25], $0x2000  }
0x5e: {  	[sflag:s25] =	ssyncset.done $0x0  }
0x5f: {  	s26 =	rddreg [dreg:$0x9];
	[sflag:s25] =	ssyncadd.s32 $0xFFFFE000  }
0x60: {  	[hbm4b:s26+s21] =	stream.strided.scatter [tilespmem:s11], [sflag:$0x9], $0x2000, s7, s21, $0x38;
	[tilespmem:$0x12340] =	vst v63  }
0x61: {  	s26 =	simm.s32 $0x4  }
0x62: {  	_ =	swait.ge [sflag:s26], $0x2000  }
0x63: {  	[sflag:s26] =	ssyncset.done $0x0  }
0x64: {  	s10 =	rddreg [dreg:$0xa];
	[sflag:s26] =	ssyncadd.s32 $0xFFFFE000  }
0x65: {  	[hbm4b:s10+s21] =	stream.strided.scatter [tilespmem:s13], [sflag:$0x9], $0x2000, s7, s21, $0x38;
	[tilespmem:$0x12340] =	vst v63  }
0x66: {  	s28 =	simm.s32 $0x5;
	s10 =	ssub.s32 $0x2, s1  }
0x67: {  	_ =	swait.ge [sflag:s28], $0x2000;
	s30 =	sshrl.u32 s10, $0x1  }
0x68: {  	s29 =	simm.s32 $0x6;
	[sflag:s28] =	ssyncset.done $0x0;
	s0 =	ssub.s32 s10, s30  }
0x69: {  	s12 =	rddreg [dreg:$0xb];
	[sflag:s28] =	ssyncadd.s32 $0xFFFFE000;
	s0 =	smax.u32 s0, $0x1  }
0x6a: {  	[hbm4b:s12+s21] =	stream.strided.scatter [tilespmem:s15], [sflag:$0x9], $0x2000, s7, s21, $0x38;
	[tilespmem:$0x12340] =	vst v63  }
0x6b: {  	p0 =	sne.s32 s0, $0x1;
	_ =	swait.ge [sflag:s29], $0x2000  }
.Ltmp0:
0x6c: {  	[sflag:s29] =	ssyncset.done $0x0;
	(pc) =	sbr.rel @!p0 .LBB2_2-.Ltmp0, $4  }
0x6d: {  	s30 =	simm.s32 $0x7;
	s12 =	rddreg [dreg:$0xc];
	[sflag:s29] =	ssyncadd.s32 $0xFFFFE000  }
0x6e: {  	[hbm4b:s12+s21] =	stream.strided.scatter [tilespmem:s18], [sflag:$0x9], $0x2000, s7, s21, $0x38;
	[tilespmem:$0x12340] =	vst v63  }
0x6f: {  	s31 =	simm.s32 $0x8;
	_ =	swait.ge [sflag:s30], $0x2000  }
0x70: {  	s1 =	sadd.s32 $0xFFFFFFFF, s0;
	[sflag:s30] =	ssyncset.done $0x0;
	s0 =	rddreg [dreg:$0xd]  }
.LBB2_1:
0x71: {  	[sflag:s30] =	ssyncadd.s32 $0xFFFFE000  }
0x72: {  	[hbm4b:s0+s21] =	stream.strided.scatter [tilespmem:s19], [sflag:$0x9], $0x2000, s7, s21, $0x38;
	[tilespmem:$0x12340] =	vst v63  }
0x73: {  	_ =	swait.ge [sflag:s31], $0x2000  }
0x74: {  	[sflag:s31] =	ssyncset.done $0x0  }
0x75: {  	s10 =	rddreg [dreg:$0xe];
	[sflag:s31] =	ssyncadd.s32 $0xFFFFE000  }
0x76: {  	[hbm4b:s10+s21] =	stream.strided.scatter [tilespmem:s16], [sflag:$0x9], $0x2000, s7, s21, $0x38;
	[tilespmem:$0x12340] =	vst v63  }
0x77: {  	_ =	swait.ge [sflag:s4], $0x2000  }
0x78: {  	[sflag:s4] =	ssyncset.done $0x0  }
0x79: {  	[sflag:s4] =	ssyncadd.s32 $0xFFFFE000  }
0x7a: {  	_ =	swait.ge [sflag:s4], $0x2000  }
0x7b: {  	[sflag:s4] =	ssyncset.done $0x0  }
0x7c: {  	[sflag:s4] =	ssyncadd.s32 $0xFFFFE000  }
0x7d: {  	_ =	swait.ge [sflag:s4], $0x2000  }
0x7e: {  	[sflag:s4] =	ssyncset.done $0x0  }
0x7f: {  	[sflag:s4] =	ssyncadd.s32 $0xFFFFE000  }
0x80: {  	_ =	swait.ge [sflag:s4], $0x2000  }
0x81: {  	[sflag:s4] =	ssyncset.done $0x0  }
0x82: {  	[sflag:s4] =	ssyncadd.s32 $0xFFFFE000  }
0x83: {  	_ =	swait.ge [sflag:s4], $0x2000  }
0x84: {  	[sflag:s4] =	ssyncset.done $0x0  }
0x85: {  	[sflag:s4] =	ssyncadd.s32 $0xFFFFE000  }
0x86: {  	_ =	swait.ge [sflag:s4], $0x2000  }
0x87: {  	[sflag:s4] =	ssyncset.done $0x0  }
0x88: {  	[sflag:s4] =	ssyncadd.s32 $0xFFFFE000  }
0x89: {  	_ =	swait.ge [sflag:s4], $0x2000  }
0x8a: {  	[sflag:s4] =	ssyncset.done $0x0  }
0x8b: {  	[sflag:s4] =	ssyncadd.s32 $0xFFFFE000  }
0x8c: {  	_ =	swait.ge [sflag:s4], $0x2000  }
0x8d: {  	s0 =	rddreg [dreg:$0x5]  }
0x8e: {  	[sflag:s4] =	ssyncset.done $0x0;
	s10 =	rddreg [dreg:$0xf]  }
0x8f: {  	s12 =	rddreg [dreg:$0x6];
	[sflag:s4] =	ssyncadd.s32 $0xFFFFE000  }
0x90: {  	[spmem:s10], [sflag:s12] =	dma.local [hbm:s0], $0x3E8  }
0x91: {  	s0 =	rddreg [dreg:$0x7]  }
0x92: {  	[tilespmem:s3], [sflag:$0xA] =	stream.linear.gather [hbm4b:s0+s3], $0x400, $0x38;
	[tilespmem:$0x12340] =	vst v63  }
0x93: {  	_ =	swait.ge [sflag:s6], $0x400  }
0x94: {  	[sflag:s6] =	ssyncset.done $0x0  }
0x95: {  	[sflag:s6] =	ssyncadd.s32 $0xFFFFFC00  }
0x96: {  	_ =	swait.ge [sflag:s4], $0x3E8  }
0x97: {  	[sflag:s4] =	ssyncset.done $0x0  }
0x98: {  	[sflag:s4] =	ssyncadd.s32 $0xFFFFFC18  }
0x99: {  	[bflag:$0x0] =	sbarrier.arrive $0xFFFF  }
0x9a: {  	v0 =	vld [tilespmem:$0x3F0]  }
0x9b: {  	v1 =	vld [tilespmem:$0x3C0]  }
0x9c: {  	v2 =	vld [tilespmem:$0x3E0]  }
0x9d: {  	v3 =	vld [tilespmem:$0x3D0]  }
0x9e: {  	v4 =	vld [tilespmem:$0x2C0]  }
0x9f: {  	v5 =	vld [tilespmem:$0x3B0];
	v0 =	vadd.s32 $0x3E8, v0  }
0xa0: {  	v6 =	vld [tilespmem:$0x3A0];
	v1 =	vadd.s32 $0x3E8, v1;
	[tilespmem:$0x3F0] =	vst v0  }
0xa1: {  	v33 =	vld [tilespmem:$0x2F0];
	v32 =	vadd.s32 $0x3E8, v2;
	[tilespmem:$0x3C0] =	vst v1  }
0xa2: {  	v35 =	vld [tilespmem:$0x2E0];
	v3 =	vadd.s32 $0x3E8, v3;
	[tilespmem:$0x3E0] =	vst v32  }
0xa3: {  	v38 =	vld [tilespmem:$0x1C0];
	v34 =	vadd.s32 $0x3E8, v4;
	[tilespmem:$0x3D0] =	vst v3  }
0xa4: {  	v44 =	vld [tilespmem:$0x1E0];
	v37 =	vadd.s32 $0x3E8, v5;
	[tilespmem:$0x2C0] =	vst v34  }
0xa5: {  	v56 =	vld [tilespmem:$0xA0];
	v6 =	vadd.s32 $0x3E8, v6;
	[tilespmem:$0x3B0] =	vst v37  }
0xa6: {  	v57 =	vld [tilespmem:$0x90];
	v2 =	vadd.s32 $0x3E8, v33;
	[tilespmem:$0x3A0] =	vst v6  }
0xa7: {  	v58 =	vld [tilespmem:$0x280];
	v4 =	vadd.s32 $0x3E8, v35;
	[tilespmem:$0x2F0] =	vst v2  }
0xa8: {  	v59 =	vld [tilespmem:$0x80];
	v43 =	vadd.s32 $0x3E8, v38;
	[tilespmem:$0x2E0] =	vst v4  }
0xa9: {  	v31 =	vld [tilespmem:$0x390];
	v5 =	vadd.s32 $0x3E8, v44;
	[tilespmem:$0x1C0] =	vst v43  }
0xaa: {  	v36 =	vld [tilespmem:$0x2D0];
	v60 =	vadd.s32 $0x3E8, v56;
	[tilespmem:$0x1E0] =	vst v5  }
0xab: {  	v39 =	vld [tilespmem:$0x2B0];
	v61 =	vadd.s32 $0x3E8, v57;
	[tilespmem:$0xA0] =	vst v60  }
0xac: {  	v40 =	vld [tilespmem:$0x2A0];
	v62 =	vadd.s32 $0x3E8, v58;
	[tilespmem:$0x90] =	vst v61  }
0xad: {  	v42 =	vld [tilespmem:$0x1F0];
	v63 =	vadd.s32 $0x3E8, v59;
	[tilespmem:$0x280] =	vst v62  }
0xae: {  	v46 =	vld [tilespmem:$0xB0];
	v0 =	vadd.s32 $0x3E8, v31;
	[tilespmem:$0x80] =	vst v63  }
0xaf: {  	v51 =	vld [tilespmem:$0xF0];
	v1 =	vadd.s32 $0x3E8, v36;
	[tilespmem:$0x390] =	vst v0  }
0xb0: {  	v41 =	vld [tilespmem:$0x290];
	v3 =	vadd.s32 $0x3E8, v39;
	[tilespmem:$0x2D0] =	vst v1  }
0xb1: {  	v45 =	vld [tilespmem:$0x1D0];
	v6 =	vadd.s32 $0x3E8, v40;
	[tilespmem:$0x2B0] =	vst v3  }
0xb2: {  	v47 =	vld [tilespmem:$0x1B0];
	v2 =	vadd.s32 $0x3E8, v42;
	[tilespmem:$0x2A0] =	vst v6  }
0xb3: {  	v48 =	vld [tilespmem:$0x1A0];
	v4 =	vadd.s32 $0x3E8, v46;
	[tilespmem:$0x1F0] =	vst v2  }
0xb4: {  	v50 =	vld [tilespmem:$0x180];
	v5 =	vadd.s32 $0x3E8, v51;
	[tilespmem:$0xB0] =	vst v4  }
0xb5: {  	v53 =	vld [tilespmem:$0xD0];
	v0 =	vadd.s32 $0x3E8, v41;
	[tilespmem:$0xF0] =	vst v5  }
0xb6: {  	v49 =	vld [tilespmem:$0x190];
	v1 =	vadd.s32 $0x3E8, v45;
	[tilespmem:$0x290] =	vst v0  }
0xb7: {  	v52 =	vld [tilespmem:$0xE0];
	v3 =	vadd.s32 $0x3E8, v47;
	[tilespmem:$0x1D0] =	vst v1  }
0xb8: {  	v54 =	vld [tilespmem:$0xC0];
	v6 =	vadd.s32 $0x3E8, v48;
	[tilespmem:$0x1B0] =	vst v3  }
0xb9: {  	v55 =	vld [tilespmem:$0x380];
	v2 =	vadd.s32 $0x3E8, v50;
	[tilespmem:$0x1A0] =	vst v6  }
0xba: {  	v4 =	vadd.s32 $0x3E8, v53;
	[tilespmem:$0x180] =	vst v2  }
0xbb: {  	v0 =	vadd.s32 $0x3E8, v49;
	[tilespmem:$0xD0] =	vst v4  }
0xbc: {  	v1 =	vadd.s32 $0x3E8, v52;
	[tilespmem:$0x190] =	vst v0  }
0xbd: {  	v3 =	vadd.s32 $0x3E8, v54;
	[tilespmem:$0xE0] =	vst v1  }
0xbe: {  	[tilespmem:$0xC0] =	vst v3;
	v0 =	vadd.s32 $0x3E8, v55  }
0xbf: {  	[tilespmem:$0x380] =	vst v0  }
0xc0: {  	[tilespmem:s8], [sflag:$0x1] =	stream.indirect.gather [spmem:s2], $0x40, s3, s7, $0xb8;
	[tilespmem:$0x12340] =	vst v63  }
0xc1: {  	_ = 	snop  }
0xc2: {  	[tilespmem:s9], [sflag:$0x2] =	stream.indirect.gather [spmem:s2], $0x40, s7, s7, $0xb8;
	[tilespmem:$0x12340] =	vst v63  }
0xc3: {  	s12 =	simm.s32 $0x100  }
0xc4: {  	[tilespmem:s11], [sflag:$0x3] =	stream.indirect.gather [spmem:s2], $0x40, s12, s7, $0xb8;
	[tilespmem:$0x12340] =	vst v63  }
0xc5: {  	s10 =	simm.s32 $0x180  }
0xc6: {  	[tilespmem:s13], [sflag:$0x4] =	stream.indirect.gather [spmem:s2], $0x40, s10, s7, $0xb8;
	[tilespmem:$0x12340] =	vst v63  }
0xc7: {  	_ = 	snop  }
0xc8: {  	[tilespmem:s15], [sflag:$0x5] =	stream.indirect.gather [spmem:s2], $0x40, s14, s7, $0xb8;
	[tilespmem:$0x12340] =	vst v63  }
0xc9: {  	_ = 	snop  }
0xca: {  	[tilespmem:s18], [sflag:$0x6] =	stream.indirect.gather [spmem:s2], $0x40, s17, s7, $0xb8;
	[tilespmem:$0x12340] =	vst v63  }
0xcb: {  	_ = 	snop  }
0xcc: {  	[tilespmem:s19], [sflag:$0x7] =	stream.indirect.gather [spmem:s2], $0x40, s20, s7, $0xb8;
	[tilespmem:$0x12340] =	vst v63  }
0xcd: {  	_ = 	snop  }
0xce: {  	[tilespmem:s16], [sflag:$0x8] =	stream.indirect.gather [spmem:s2], $0x40, s22, s7, $0xb8;
	[tilespmem:$0x12340] =	vst v63  }
0xcf: {  	_ =	swait.ge [sflag:s23], $0x2000  }
0xd0: {  	[sflag:s23] =	ssyncset.done $0x0  }
0xd1: {  	[sflag:s23] =	ssyncadd.s32 $0xFFFFE000  }
0xd2: {  	[hbm4b:s5+s21] =	stream.strided.scatter [tilespmem:s8], [sflag:$0x9], $0x2000, s7, s21, $0x38;
	[tilespmem:$0x12340] =	vst v63  }
0xd3: {  	_ =	swait.ge [sflag:s24], $0x2000  }
0xd4: {  	[sflag:s24] =	ssyncset.done $0x0  }
0xd5: {  	s12 =	rddreg [dreg:$0x8];
	[sflag:s24] =	ssyncadd.s32 $0xFFFFE000  }
0xd6: {  	[hbm4b:s12+s21] =	stream.strided.scatter [tilespmem:s9], [sflag:$0x9], $0x2000, s7, s21, $0x38;
	[tilespmem:$0x12340] =	vst v63  }
0xd7: {  	_ =	swait.ge [sflag:s25], $0x2000  }
0xd8: {  	[sflag:s25] =	ssyncset.done $0x0  }
0xd9: {  	s10 =	rddreg [dreg:$0x9];
	[sflag:s25] =	ssyncadd.s32 $0xFFFFE000  }
0xda: {  	[hbm4b:s10+s21] =	stream.strided.scatter [tilespmem:s11], [sflag:$0x9], $0x2000, s7, s21, $0x38;
	[tilespmem:$0x12340] =	vst v63  }
0xdb: {  	_ =	swait.ge [sflag:s26], $0x2000  }
0xdc: {  	[sflag:s26] =	ssyncset.done $0x0  }
0xdd: {  	s12 =	rddreg [dreg:$0xa];
	[sflag:s26] =	ssyncadd.s32 $0xFFFFE000  }
0xde: {  	[hbm4b:s12+s21] =	stream.strided.scatter [tilespmem:s13], [sflag:$0x9], $0x2000, s7, s21, $0x38;
	[tilespmem:$0x12340] =	vst v63  }
0xdf: {  	_ =	swait.ge [sflag:s28], $0x2000  }
0xe0: {  	[sflag:s28] =	ssyncset.done $0x0  }
0xe1: {  	s10 =	rddreg [dreg:$0xb];
	[sflag:s28] =	ssyncadd.s32 $0xFFFFE000  }
0xe2: {  	[hbm4b:s10+s21] =	stream.strided.scatter [tilespmem:s15], [sflag:$0x9], $0x2000, s7, s21, $0x38;
	[tilespmem:$0x12340] =	vst v63  }
0xe3: {  	p0 =	sne.s32 s1, $0x1;
	_ =	swait.ge [sflag:s29], $0x2000  }
.Ltmp1:
0xe4: {  	[sflag:s29] =	ssyncset.done $0x0;
	(pc) =	sbr.rel @p0 .LBB2_1-.Ltmp1, $4  }
0xe5: {  	s12 =	rddreg [dreg:$0xc];
	[sflag:s29] =	ssyncadd.s32 $0xFFFFE000  }
0xe6: {  	[hbm4b:s12+s21] =	stream.strided.scatter [tilespmem:s18], [sflag:$0x9], $0x2000, s7, s21, $0x38;
	[tilespmem:$0x12340] =	vst v63  }
0xe7: {  	_ =	swait.ge [sflag:s30], $0x2000  }
0xe8: {  	s1 =	sadd.s32 $0xFFFFFFFF, s1;
	[sflag:s30] =	ssyncset.done $0x0;
	s0 =	rddreg [dreg:$0xd]  }
.LBB2_2:
0xe9: {  	[sflag:s30] =	ssyncadd.s32 $0xFFFFE000  }
0xea: {  	[hbm4b:s0+s21] =	stream.strided.scatter [tilespmem:s19], [sflag:$0x9], $0x2000, s7, s21, $0x38;
	[tilespmem:$0x12340] =	vst v63  }
0xeb: {  	_ =	swait.ge [sflag:s31], $0x2000  }
0xec: {  	[sflag:s31] =	ssyncset.done $0x0  }
0xed: {  	s30 =	rddreg [dreg:$0xe];
	[sflag:s31] =	ssyncadd.s32 $0xFFFFE000  }
0xee: {  	[hbm4b:s30+s21] =	stream.strided.scatter [tilespmem:s16], [sflag:$0x9], $0x2000, s7, s21, $0x38;
	[tilespmem:$0x12340] =	vst v63  }
0xef: {  	_ =	swait.ge [sflag:s4], $0x2000  }
0xf0: {  	[sflag:s4] =	ssyncset.done $0x0  }
0xf1: {  	[sflag:s4] =	ssyncadd.s32 $0xFFFFE000  }
0xf2: {  	_ =	swait.ge [sflag:s4], $0x2000  }
0xf3: {  	[sflag:s4] =	ssyncset.done $0x0  }
0xf4: {  	[sflag:s4] =	ssyncadd.s32 $0xFFFFE000  }
0xf5: {  	_ =	swait.ge [sflag:s4], $0x2000  }
0xf6: {  	[sflag:s4] =	ssyncset.done $0x0  }
0xf7: {  	[sflag:s4] =	ssyncadd.s32 $0xFFFFE000  }
0xf8: {  	_ =	swait.ge [sflag:s4], $0x2000  }
0xf9: {  	[sflag:s4] =	ssyncset.done $0x0  }
0xfa: {  	[sflag:s4] =	ssyncadd.s32 $0xFFFFE000  }
0xfb: {  	_ =	swait.ge [sflag:s4], $0x2000  }
0xfc: {  	[sflag:s4] =	ssyncset.done $0x0  }
0xfd: {  	[sflag:s4] =	ssyncadd.s32 $0xFFFFE000  }
0xfe: {  	_ =	swait.ge [sflag:s4], $0x2000  }
0xff: {  	[sflag:s4] =	ssyncset.done $0x0  }
0x100: {  	[sflag:s4] =	ssyncadd.s32 $0xFFFFE000  }
0x101: {  	_ =	swait.ge [sflag:s4], $0x2000  }
0x102: {  	[sflag:s4] =	ssyncset.done $0x0  }
0x103: {  	[sflag:s4] =	ssyncadd.s32 $0xFFFFE000  }
0x104: {  	_ =	swait.ge [sflag:s4], $0x2000  }
0x105: {  	[sflag:s4] =	ssyncset.done $0x0  }
0x106: {  	[sflag:s4] =	ssyncadd.s32 $0xFFFFE000  }
0x107: {  	_ =	sfence.sel $0x180000  }
0x108: {  	[bflag:$0x0] =	sbarrier.arrive $0xFFFF  }
0x109: {  	_ =	strace $0x90000047  }
0x10a: {  	s31 =	stileid.u32;
	[bflag:$0x2] =	sbarrier.arrive $0xFFFF  }
0x10b: {  	p0 =	sne.s32 s31, $0x0;
	s0 =	rddreg [dreg:$0x4]  }
0x10c: {  	s0 =	sadd.s32 @!p0 $0x100000, s0  }
0x10d: {  	[sflag:s0] =	ssyncadd.tile.s32 @!p0 $0x1;
	_ =	shalt  }
.Lfunc_end2:
_tile_overlayer_lowered:
.L_overlay_start_2:
0x10e: {  	(tag) =	ssettag $0x2  }
0x10f: {  	s0 =	rddreg [dreg:$0x0];
	s2 =	stileid.u32  }
0x110: {  	s1 =	rddreg [dreg:$0x1];
	p0 =	sne.s32 s2, $0x0  }
0x111: {  	s3 =	rddreg [dreg:$0x2];
	[bflag:$0x3] =	sbarrier.arrive $0xFFFF;
	s2 =	simm.s32 @!p0 $0x1C0A  }
0x112: {  	[timem:s3], [sflag:s2] =	dma.local @!p0 [hbm:s0], s1  }
0x113: {  	s0 =	simm.s32 @!p0 $0xA  }
0x114: {  	_ =	swait.ge @!p0 [sflag:s0], s1  }
0x115: {  	s1 =	ssub.s32 @!p0 $0x0, s1;
	[sflag:s0] =	ssyncset.done @!p0 $0x0  }
0x116: {  	[sflag:s0] =	ssyncadd.s32 @!p0 s1  }
0x117: {  	[bflag:$0x3] =	sbarrier.arrive $0xFFFF  }
0x118: {  	_ =	shalt  }

</sc_bundles>
